<compile_context>
chip_gen: v7x
topology: tpu7x:2x2x1
jax: 0.10.2.dev20260603
libtpu: 0.0.44.dev20260713+nightly
codegen_flags: <defaults>
</compile_context>

<pallas_src>
import functools

import jax
import jax.numpy as jnp
import numpy as np
from jax import lax
from jax.experimental import pallas as pl
from jax.experimental.pallas import tpu as pltpu
from jax.experimental.pallas import tpu_sc as plsc

N_NODES = 10000
N_EDGES = 160000
L = 2
DIM = 16
DIM_A = 128
DIM_V = 64
DIM_D = 32
R0 = 5.0

PAY_W = 32
ROW_W = 160
CHUNK = 128
NCHUNK = N_EDGES // CHUNK
N_TILES = 16
ROWS_PER_TILE = N_NODES // N_TILES
ZB_ROWS = 25


def _edge_mlp_body(r_ref, w_in_ref, b_in_ref, wd_ref, w1_ref, b1_ref,
                   w2_ref, b2_ref, w3_ref, b3_ref, out_ref):
    r = r_ref[...]
    d2 = jnp.sum(r * r, axis=-1, keepdims=True)
    d = jnp.sqrt(d2 + 1e-12)
    centers = lax.broadcasted_iota(jnp.int32, (1, 8), 1).astype(jnp.float32) * (R0 / 7.0)
    width = R0 / 8.0
    rad = jnp.exp(-((d - centers) ** 2) / (2.0 * width * width))

    h0 = jnp.dot(rad, w_in_ref[...], preferred_element_type=jnp.float32)
    h0 = h0 + b_in_ref[...]
    t = jnp.dot(h0, w1_ref[...], preferred_element_type=jnp.float32) + b1_ref[...]
    t = jnp.where(t >= 0, t, 0.1 * t)
    t = jnp.dot(t, w2_ref[...], preferred_element_type=jnp.float32) + b2_ref[...]
    t = jnp.where(t >= 0, t, 0.1 * t)
    t = jnp.dot(t, w3_ref[...], preferred_element_type=jnp.float32) + b3_ref[...]
    h = jnp.dot(h0, wd_ref[...], preferred_element_type=jnp.float32) + t

    rs = r * (7.0 / R0)
    n = jnp.sqrt(jnp.sum(rs * rs, axis=-1, keepdims=True) + 1e-12)
    rr = rs * (jnp.tanh(n) / n)
    rx = rr[:, 0:1]
    ry = rr[:, 1:2]
    rz = rr[:, 2:3]
    ones = jnp.ones_like(rx)
    zeros6 = jnp.zeros((rx.shape[0], 6), jnp.float32)
    m = jnp.concatenate(
        [ones, rx, ry, rz,
         rx * rx, rx * ry, rx * rz, ry * ry, ry * rz, rz * rz, zeros6],
        axis=1)
    out_ref[...] = jnp.concatenate([h, m], axis=1)


def _edge_mlp(r_flat, w_in, b_in, w_direct, w1, b1, w2, b2, w3, b3):
    eb = 3200
    grid = (r_flat.shape[0] // eb,)
    full = lambda shape: pl.BlockSpec(shape, lambda i: (0, 0))
    return pl.pallas_call(
        _edge_mlp_body,
        grid=grid,
        in_specs=[
            pl.BlockSpec((eb, 3), lambda i: (i, 0)),
            full((8, DIM)), full((1, DIM)), full((DIM, DIM)),
            full((DIM, 2 * DIM)), full((1, 2 * DIM)),
            full((2 * DIM, 2 * DIM)), full((1, 2 * DIM)),
            full((2 * DIM, DIM)), full((1, DIM)),
        ],
        out_specs=pl.BlockSpec((eb, PAY_W), lambda i: (i, 0)),
        out_shape=jax.ShapeDtypeStruct((r_flat.shape[0], PAY_W), jnp.float32),
    )(r_flat, w_in, b_in.reshape(1, -1), w_direct,
      w1, b1.reshape(1, -1), w2, b2.reshape(1, -1), w3, b3.reshape(1, -1))


def _sc_scatter_body(pay_hbm, src_hbm, out_hbm, idx_v, pay_v, row_v, zb_v, table):
    c = lax.axis_index("c")
    s = lax.axis_index("s")

    zv = jnp.zeros((16,), jnp.float32)

    def zrow(i, carry):
        for k in range(ROW_W // 16):
            zb_v[i, pl.ds(k * 16, 16)] = zv
        return carry

    lax.fori_loop(0, ZB_ROWS, zrow, 0)
    for b in range(ROWS_PER_TILE // ZB_ROWS):
        pltpu.sync_copy(zb_v, table.at[pl.ds(s * ROWS_PER_TILE + b * ZB_ROWS, ZB_ROWS)])
    plsc.subcore_barrier()

    n_iters = (NCHUNK - s + N_TILES - 1) // N_TILES

    def chunk_body(i, carry):
        j = s + i * N_TILES
        base = c * N_EDGES + j * CHUNK
        pltpu.sync_copy(pay_hbm.at[pl.ds(base, CHUNK)], pay_v)
        pltpu.sync_copy(src_hbm.at[pl.ds(j * CHUNK, CHUNK)], idx_v.at[0])

        def edge(e, ecarry):
            h = pay_v[e, pl.ds(0, 16)]
            mvec = pay_v[e, pl.ds(16, 16)]
            for k in range(10):
                row_v[e, pl.ds(k * 16, 16)] = h * mvec[k]
            return ecarry

        lax.fori_loop(0, CHUNK, edge, 0)
        pltpu.sync_copy(row_v, table.at[idx_v.at[0]], add=True)
        return carry

    lax.fori_loop(0, n_iters, chunk_body, 0)
    plsc.subcore_barrier()

    pltpu.sync_copy(table.at[pl.ds(s * ROWS_PER_TILE, ROWS_PER_TILE)],
                    out_hbm.at[c, pl.ds(s * ROWS_PER_TILE, ROWS_PER_TILE)])


def _sc_scatter(payload, edge_src):
    mesh = plsc.VectorSubcoreMesh(core_axis_name="c", subcore_axis_name="s")
    f = pl.kernel(
        _sc_scatter_body,
        out_type=jax.ShapeDtypeStruct((L, N_NODES, ROW_W), jnp.float32),
        mesh=mesh,
        scratch_types=[
            pltpu.VMEM((1, CHUNK), jnp.int32),
            pltpu.VMEM((CHUNK, PAY_W), jnp.float32),
            pltpu.VMEM((CHUNK, ROW_W), jnp.float32),
            pltpu.VMEM((ZB_ROWS, ROW_W), jnp.float32),
            pltpu.VMEM_SHARED((N_NODES, ROW_W), jnp.float32),
        ],
        compiler_params=pltpu.CompilerParams(use_tc_tiling_on_sc=False),
    )
    return f(payload, edge_src)


def _node_mix_body(t_ref, wa_ref, wv_ref, wd_ref, oa_ref, ov_ref, od_ref):
    t = t_ref[...]

    def fused(k):
        return jnp.concatenate([t[0, :, k * 16:(k + 1) * 16],
                                t[1, :, k * 16:(k + 1) * 16]], axis=1)

    wa = wa_ref[...]
    wv = wv_ref[...]
    wd = wd_ref[...]
    oa_ref[...] = jnp.dot(fused(0), wa, preferred_element_type=jnp.float32)
    for x in range(3):
        ov_ref[x, :, :] = jnp.dot(fused(1 + x), wv,
                                  preferred_element_type=jnp.float32)
    for q in range(6):
        od_ref[q, :, :] = jnp.dot(fused(4 + q), wd,
                                  preferred_element_type=jnp.float32)


def _node_mix(tables, w_a, w_v, w_d):
    nb = 2000
    grid = (N_NODES // nb,)
    full = lambda shape: pl.BlockSpec(shape, lambda i: tuple(0 for _ in shape))
    return pl.pallas_call(
        _node_mix_body,
        grid=grid,
        in_specs=[
            pl.BlockSpec((L, nb, ROW_W), lambda i: (0, i, 0)),
            full((L * DIM, DIM_A)), full((L * DIM, DIM_V)), full((L * DIM, DIM_D)),
        ],
        out_specs=[
            pl.BlockSpec((nb, DIM_A), lambda i: (i, 0)),
            pl.BlockSpec((3, nb, DIM_V), lambda i: (0, i, 0)),
            pl.BlockSpec((6, nb, DIM_D), lambda i: (0, i, 0)),
        ],
        out_shape=[
            jax.ShapeDtypeStruct((N_NODES, DIM_A), jnp.float32),
            jax.ShapeDtypeStruct((3, N_NODES, DIM_V), jnp.float32),
            jax.ShapeDtypeStruct((6, N_NODES, DIM_D), jnp.float32),
        ],
    )(tables, w_a, w_v, w_d)


def kernel(r_ij, edge_src, w_in, b_in, w_direct, w1, b1, w2, b2, w3, b3,
           w_a, w_v, w_d):
    r_flat = r_ij.reshape(L * N_EDGES, 3)
    payload = _edge_mlp(r_flat, w_in, b_in, w_direct, w1, b1, w2, b2, w3, b3)
    tables = _sc_scatter(payload, edge_src)
    out_a, out_v, out_d = _node_mix(tables, w_a, w_v, w_d)

    out_a = out_a[None]
    out_v = jnp.transpose(out_v, (1, 2, 0))[None]
    sym = jnp.array([[0, 1, 2], [1, 3, 4], [2, 4, 5]], jnp.int32)
    out_d = jnp.transpose(out_d[sym], (2, 3, 0, 1))[None]
    return (out_a, out_v, out_d)

# --- scband reference (transcript-rebuilt; emitter-appended) ---
"""Pipeline reference for scband-displacement-tensors-53772990546083 (READ-ONLY COPY).

The authoritative reference and input builder live on the scoring server;
editing this copy changes nothing except your own understanding.
"""

import jax, jax.numpy as jnp
import numpy as np

N_NODES = 10000
N_EDGES = 160000
L = 2
BATCH = 1
LBATCH = L * BATCH
DIM = 16
DIM_A = 128
DIM_V = 64
DIM_D = 32
R0 = 5.0


def radial_encode_8(r_ij, r0):
    # 8 Gaussian radial basis functions on the edge length
    d = jnp.sqrt(jnp.sum(r_ij * r_ij, axis=-1) + 1e-12)
    centers = jnp.linspace(0.0, r0, 8)
    width = r0 / 8.0
    return jnp.exp(-((d[..., None] - centers) ** 2) / (2.0 * width * width))


def tens_sigmoid_1(v):
    # equivariant 'sigmoid' on rank-1 tensors: rescale by tanh(|v|)/|v|
    n = jnp.sqrt(jnp.sum(v * v, axis=-1, keepdims=True) + 1e-12)
    return v * (jnp.tanh(n) / n)


def leaky(x):
    return jnp.where(x >= 0, x, 0.1 * x)


def glorot(k, shape):
    return (jax.random.normal(k, shape, dtype=jnp.float32) / np.sqrt(shape[0])).astype(jnp.float32)


def setup_inputs(seed: int = 0):
    key = jax.random.key(seed)
    ks = [jax.random.fold_in(key, i) for i in range(16)]
    inp = {}
    inp['r_ij'] = jax.random.normal(ks[0], (LBATCH, N_EDGES, 3), dtype=jnp.float32) * 2.0
    inp['edge_src'] = jax.random.randint(ks[1], (N_EDGES,), 0, N_NODES)
    # mlp_radial = Linear(8, dim) -> MLP(dim)
    inp['w_in'] = glorot(ks[2], (8, DIM))
    inp['b_in'] = jnp.zeros((DIM,), jnp.float32)
    inp['w_direct'] = glorot(ks[3], (DIM, DIM))
    inp['w1'] = glorot(ks[4], (DIM, 2 * DIM))
    inp['b1'] = jnp.zeros((2 * DIM,), jnp.float32)
    inp['w2'] = glorot(ks[5], (2 * DIM, 2 * DIM))
    inp['b2'] = jnp.zeros((2 * DIM,), jnp.float32)
    inp['w3'] = glorot(ks[6], (2 * DIM, DIM))
    inp['b3'] = jnp.zeros((DIM,), jnp.float32)
    # TensLinear readouts (channel-axis linear, no bias for equivariance)
    inp['w_a'] = glorot(ks[7], (L * DIM, DIM_A))
    inp['w_v'] = glorot(ks[8], (L * DIM, DIM_V))
    inp['w_d'] = glorot(ks[9], (L * DIM, DIM_D))
    return inp


def reference(r_ij, edge_src, w_in, b_in, w_direct, w1, b1, w2, b2, w3, b3, w_a, w_v, w_d):
    # mlp_radial(radial_encode_8(r_ij, r0))
    rad = radial_encode_8(r_ij, R0)
    h0 = rad @ w_in + b_in
    h = h0 @ w_direct + (leaky(leaky(h0 @ w1 + b1) @ w2 + b2) @ w3 + b3)
    # r_ij = tens_sigmoid(1, r_ij * (7.0 / r0))
    r = tens_sigmoid_1(r_ij * (7.0 / R0))
    phi_a = h                                                   # (LB, E, DIM)
    phi_v = h[..., None] * r[..., None, :]                      # (LB, E, DIM, 3)
    phi_d = h[..., None, None] * r[..., None, None, :] * r[..., None, :, None]  # (LB, E, DIM, 3, 3)
    seg = lambda f: jax.vmap(lambda e: jax.ops.segment_sum(e, edge_src, num_segments=N_NODES))(f)
    A_a = seg(phi_a)   # (LB, N, DIM)
    A_v = seg(phi_v)   # (LB, N, DIM, 3)
    A_d = seg(phi_d)   # (LB, N, DIM, 3, 3)
    # unfuse_high_actv -> to_low_actv -> fuse_low_actv
    A_a = A_a.reshape(L, BATCH, N_NODES, DIM).transpose(1, 2, 0, 3).reshape(BATCH, N_NODES, L * DIM)
    A_v = A_v.reshape(L, BATCH, N_NODES, DIM, 3).transpose(1, 2, 0, 3, 4).reshape(BATCH, N_NODES, L * DIM, 3)
    A_d = A_d.reshape(L, BATCH, N_NODES, DIM, 3, 3).transpose(1, 2, 0, 3, 4, 5).reshape(BATCH, N_NODES, L * DIM, 3, 3)
    out_a = A_a @ w_a
    out_v = jnp.einsum('bncx,co->bnox', A_v, w_v)
    out_d = jnp.einsum('bncxy,co->bnoxy', A_d, w_d)
    return (out_a, out_v, out_d)

if __name__ == "__main__":
    import jax
    _d = setup_inputs()
    print(jax.jit(kernel)(*tuple(_d.values())))

</pallas_src>

<mosaic_0001>
#map = affine_map<(d0, d1) -> (0, 0)>
#map1 = affine_map<(d0, d1) -> (0)>
#map2 = affine_map<(d0, d1) -> (0, 0, 0)>
module attributes {stable_mosaic.version = 14 : i64} {
  func.func @_sc_scatter_body(%arg0: i32, %arg1: i32, %arg2: memref<320000x32xf32, #tpu.memory_space<hbm>>, %arg3: memref<160000xi32, #tpu.memory_space<hbm>>, %arg4: memref<2x10000x160xf32, #tpu.memory_space<hbm>>, %arg5: memref<1x128xi32, #tpu.memory_space<vmem>>, %arg6: memref<128x32xf32, #tpu.memory_space<vmem>>, %arg7: memref<128x160xf32, #tpu.memory_space<vmem>>, %arg8: memref<25x160xf32, #tpu.memory_space<vmem>>, %arg9: memref<10000x160xf32, #tpu.memory_space<vmem_shared>>) attributes {dimension_semantics = [#tpu.dimension_semantics<core_parallel>, #tpu.dimension_semantics<subcore_parallel>], iteration_bounds = array<i64: 2, 16>, scalar_prefetch = 0 : i64, scratch_operands = 5 : i64, tpu.core_type = #tpu.core_type<sc_vector_subcore>, window_params = [{transform_indices = #map}, {transform_indices = #map1}, {transform_indices = #map2}]} {
    %broadcast_in_dim3A = arith.constant 0.000000e+00 : f32
    %broadcast_in_dim3A_0 = vector.broadcast %broadcast_in_dim3A : f32 to vector<16xf32>
    %scan3A = arith.constant 0 : i32
    %scan3A_1 = arith.constant 0 : i32
    %scan3A_2 = arith.constant 25 : i32
    %scan3A_3 = arith.addi %scan3A_1, %scan3A_2 : i32
    %scan3A_4 = arith.constant 1 : i32
    scf.for %scan3A_140 = %scan3A_1 to %scan3A_3 step %scan3A_4  : i32 {
      %swap3A = arith.index_cast %scan3A_140 : i32 to index
      %swap3A_141 = arith.constant 0 : index
      %swap3A_142 = tpu.vector_load %arg8[%swap3A, %swap3A_141] {strides = array<i32>} : memref<25x160xf32, #tpu.memory_space<vmem>>, vector<1x16xf32>,
      %swap3A_143 = vector.shape_cast %swap3A_142 : vector<1x16xf32> to vector<16xf32>
      %swap3A_144 = vector.shape_cast %broadcast_in_dim3A_0 : vector<16xf32> to vector<1x16xf32>
      tpu.vector_store %arg8[%swap3A, %swap3A_141], %swap3A_144 {strides = array<i32>} : memref<25x160xf32, #tpu.memory_space<vmem>>, vector<1x16xf32>,
      %swap3A_145 = arith.index_cast %scan3A_140 : i32 to index
      %swap3A_146 = arith.constant 16 : index
      %swap3A_147 = tpu.vector_load %arg8[%swap3A_145, %swap3A_146] {strides = array<i32>} : memref<25x160xf32, #tpu.memory_space<vmem>>, vector<1x16xf32>,
      %swap3A_148 = vector.shape_cast %swap3A_147 : vector<1x16xf32> to vector<16xf32>
      %swap3A_149 = vector.shape_cast %broadcast_in_dim3A_0 : vector<16xf32> to vector<1x16xf32>
      tpu.vector_store %arg8[%swap3A_145, %swap3A_146], %swap3A_149 {strides = array<i32>} : memref<25x160xf32, #tpu.memory_space<vmem>>, vector<1x16xf32>,
      %swap3A_150 = arith.index_cast %scan3A_140 : i32 to index
      %swap3A_151 = arith.constant 32 : index
      %swap3A_152 = tpu.vector_load %arg8[%swap3A_150, %swap3A_151] {strides = array<i32>} : memref<25x160xf32, #tpu.memory_space<vmem>>, vector<1x16xf32>,
      %swap3A_153 = vector.shape_cast %swap3A_152 : vector<1x16xf32> to vector<16xf32>
      %swap3A_154 = vector.shape_cast %broadcast_in_dim3A_0 : vector<16xf32> to vector<1x16xf32>
      tpu.vector_store %arg8[%swap3A_150, %swap3A_151], %swap3A_154 {strides = array<i32>} : memref<25x160xf32, #tpu.memory_space<vmem>>, vector<1x16xf32>,
      %swap3A_155 = arith.index_cast %scan3A_140 : i32 to index
      %swap3A_156 = arith.constant 48 : index
      %swap3A_157 = tpu.vector_load %arg8[%swap3A_155, %swap3A_156] {strides = array<i32>} : memref<25x160xf32, #tpu.memory_space<vmem>>, vector<1x16xf32>,
      %swap3A_158 = vector.shape_cast %swap3A_157 : vector<1x16xf32> to vector<16xf32>
      %swap3A_159 = vector.shape_cast %broadcast_in_dim3A_0 : vector<16xf32> to vector<1x16xf32>
      tpu.vector_store %arg8[%swap3A_155, %swap3A_156], %swap3A_159 {strides = array<i32>} : memref<25x160xf32, #tpu.memory_space<vmem>>, vector<1x16xf32>,
      %swap3A_160 = arith.index_cast %scan3A_140 : i32 to index
      %swap3A_161 = arith.constant 64 : index
      %swap3A_162 = tpu.vector_load %arg8[%swap3A_160, %swap3A_161] {strides = array<i32>} : memref<25x160xf32, #tpu.memory_space<vmem>>, vector<1x16xf32>,
      %swap3A_163 = vector.shape_cast %swap3A_162 : vector<1x16xf32> to vector<16xf32>
      %swap3A_164 = vector.shape_cast %broadcast_in_dim3A_0 : vector<16xf32> to vector<1x16xf32>
      tpu.vector_store %arg8[%swap3A_160, %swap3A_161], %swap3A_164 {strides = array<i32>} : memref<25x160xf32, #tpu.memory_space<vmem>>, vector<1x16xf32>,
      %swap3A_165 = arith.index_cast %scan3A_140 : i32 to index
      %swap3A_166 = arith.constant 80 : index
      %swap3A_167 = tpu.vector_load %arg8[%swap3A_165, %swap3A_166] {strides = array<i32>} : memref<25x160xf32, #tpu.memory_space<vmem>>, vector<1x16xf32>,
      %swap3A_168 = vector.shape_cast %swap3A_167 : vector<1x16xf32> to vector<16xf32>
      %swap3A_169 = vector.shape_cast %broadcast_in_dim3A_0 : vector<16xf32> to vector<1x16xf32>
      tpu.vector_store %arg8[%swap3A_165, %swap3A_166], %swap3A_169 {strides = array<i32>} : memref<25x160xf32, #tpu.memory_space<vmem>>, vector<1x16xf32>,
      %swap3A_170 = arith.index_cast %scan3A_140 : i32 to index
      %swap3A_171 = arith.constant 96 : index
      %swap3A_172 = tpu.vector_load %arg8[%swap3A_170, %swap3A_171] {strides = array<i32>} : memref<25x160xf32, #tpu.memory_space<vmem>>, vector<1x16xf32>,
      %swap3A_173 = vector.shape_cast %swap3A_172 : vector<1x16xf32> to vector<16xf32>
      %swap3A_174 = vector.shape_cast %broadcast_in_dim3A_0 : vector<16xf32> to vector<1x16xf32>
      tpu.vector_store %arg8[%swap3A_170, %swap3A_171], %swap3A_174 {strides = array<i32>} : memref<25x160xf32, #tpu.memory_space<vmem>>, vector<1x16xf32>,
      %swap3A_175 = arith.index_cast %scan3A_140 : i32 to index
      %swap3A_176 = arith.constant 112 : index
      %swap3A_177 = tpu.vector_load %arg8[%swap3A_175, %swap3A_176] {strides = array<i32>} : memref<25x160xf32, #tpu.memory_space<vmem>>, vector<1x16xf32>,
      %swap3A_178 = vector.shape_cast %swap3A_177 : vector<1x16xf32> to vector<16xf32>
      %swap3A_179 = vector.shape_cast %broadcast_in_dim3A_0 : vector<16xf32> to vector<1x16xf32>
      tpu.vector_store %arg8[%swap3A_175, %swap3A_176], %swap3A_179 {strides = array<i32>} : memref<25x160xf32, #tpu.memory_space<vmem>>, vector<1x16xf32>,
      %swap3A_180 = arith.index_cast %scan3A_140 : i32 to index
      %swap3A_181 = arith.constant 128 : index
      %swap3A_182 = tpu.vector_load %arg8[%swap3A_180, %swap3A_181] {strides = array<i32>} : memref<25x160xf32, #tpu.memory_space<vmem>>, vector<1x16xf32>,
      %swap3A_183 = vector.shape_cast %swap3A_182 : vector<1x16xf32> to vector<16xf32>
      %swap3A_184 = vector.shape_cast %broadcast_in_dim3A_0 : vector<16xf32> to vector<1x16xf32>
      tpu.vector_store %arg8[%swap3A_180, %swap3A_181], %swap3A_184 {strides = array<i32>} : memref<25x160xf32, #tpu.memory_space<vmem>>, vector<1x16xf32>,
      %swap3A_185 = arith.index_cast %scan3A_140 : i32 to index
      %swap3A_186 = arith.constant 144 : index
      %swap3A_187 = tpu.vector_load %arg8[%swap3A_185, %swap3A_186] {strides = array<i32>} : memref<25x160xf32, #tpu.memory_space<vmem>>, vector<1x16xf32>,
      %swap3A_188 = vector.shape_cast %swap3A_187 : vector<1x16xf32> to vector<16xf32>
      %swap3A_189 = vector.shape_cast %broadcast_in_dim3A_0 : vector<16xf32> to vector<1x16xf32>
      tpu.vector_store %arg8[%swap3A_185, %swap3A_186], %swap3A_189 {strides = array<i32>} : memref<25x160xf32, #tpu.memory_space<vmem>>, vector<1x16xf32>,
    }
    %scan3A_5 = arith.constant 25 : i32
    %mul3A = arith.constant 625 : i32
    %mul3A_6 = arith.muli %arg1, %mul3A : i32
    %add3A = arith.constant 0 : i32
    %add3A_7 = arith.addi %mul3A_6, %add3A : i32
    "tpu.region"() ({
      %run_scoped3A = tpu.sem_alloc : memref<!tpu.dma_semaphore, #tpu.memory_space<semaphore_mem>>
      %dma_start3A = arith.constant 0 : i32
      %dma_start3A_140 = tpu.memref_slice %arg9[%add3A_7, %dma_start3A] : memref<10000x160xf32, #tpu.memory_space<vmem_shared>> -> memref<25x160xf32, #tpu.memory_space<vmem_shared>>
      %dma_start3A_141 = arith.constant 0 : i32
      %dma_start3A_142 = tpu.memref_slice %arg9[%add3A_7, %dma_start3A_141] : memref<10000x160xf32, #tpu.memory_space<vmem_shared>> -> memref<25x160xf32, #tpu.memory_space<vmem_shared>>
      tpu.enqueue_dma source(%arg8 : memref<25x160xf32, #tpu.memory_space<vmem>>) target(%dma_start3A_142 : memref<25x160xf32, #tpu.memory_space<vmem_shared>>) target_semaphore(%run_scoped3A : memref<!tpu.dma_semaphore, #tpu.memory_space<semaphore_mem>>)
      %dma_wait3A = arith.constant 0 : i32
      %dma_wait3A_143 = tpu.memref_slice %arg9[%add3A_7, %dma_wait3A] : memref<10000x160xf32, #tpu.memory_space<vmem_shared>> -> memref<25x160xf32, #tpu.memory_space<vmem_shared>>
      %dma_wait3A_144 = arith.constant 0 : i32
      %dma_wait3A_145 = tpu.memref_slice %arg9[%add3A_7, %dma_wait3A_144] : memref<10000x160xf32, #tpu.memory_space<vmem_shared>> -> memref<25x160xf32, #tpu.memory_space<vmem_shared>>
      tpu.wait_dma2 semaphore(%run_scoped3A : memref<!tpu.dma_semaphore, #tpu.memory_space<semaphore_mem>>) src(%arg8 : memref<25x160xf32, #tpu.memory_space<vmem>>) dst(%dma_wait3A_145 : memref<25x160xf32, #tpu.memory_space<vmem_shared>>)
      tpu.yield
    }) : () -> ()
    %mul3A_8 = arith.constant 625 : i32
    %mul3A_9 = arith.muli %arg1, %mul3A_8 : i32
    %add3A_10 = arith.constant 25 : i32
    %add3A_11 = arith.addi %mul3A_9, %add3A_10 : i32
    "tpu.region"() ({
      %run_scoped3A = tpu.sem_alloc : memref<!tpu.dma_semaphore, #tpu.memory_space<semaphore_mem>>
      %dma_start3A = arith.constant 0 : i32
      %dma_start3A_140 = tpu.memref_slice %arg9[%add3A_11, %dma_start3A] : memref<10000x160xf32, #tpu.memory_space<vmem_shared>> -> memref<25x160xf32, #tpu.memory_space<vmem_shared>>
      %dma_start3A_141 = arith.constant 0 : i32
      %dma_start3A_142 = tpu.memref_slice %arg9[%add3A_11, %dma_start3A_141] : memref<10000x160xf32, #tpu.memory_space<vmem_shared>> -> memref<25x160xf32, #tpu.memory_space<vmem_shared>>
      tpu.enqueue_dma source(%arg8 : memref<25x160xf32, #tpu.memory_space<vmem>>) target(%dma_start3A_142 : memref<25x160xf32, #tpu.memory_space<vmem_shared>>) target_semaphore(%run_scoped3A : memref<!tpu.dma_semaphore, #tpu.memory_space<semaphore_mem>>)
      %dma_wait3A = arith.constant 0 : i32
      %dma_wait3A_143 = tpu.memref_slice %arg9[%add3A_11, %dma_wait3A] : memref<10000x160xf32, #tpu.memory_space<vmem_shared>> -> memref<25x160xf32, #tpu.memory_space<vmem_shared>>
      %dma_wait3A_144 = arith.constant 0 : i32
      %dma_wait3A_145 = tpu.memref_slice %arg9[%add3A_11, %dma_wait3A_144] : memref<10000x160xf32, #tpu.memory_space<vmem_shared>> -> memref<25x160xf32, #tpu.memory_space<vmem_shared>>
      tpu.wait_dma2 semaphore(%run_scoped3A : memref<!tpu.dma_semaphore, #tpu.memory_space<semaphore_mem>>) src(%arg8 : memref<25x160xf32, #tpu.memory_space<vmem>>) dst(%dma_wait3A_145 : memref<25x160xf32, #tpu.memory_space<vmem_shared>>)
      tpu.yield
    }) : () -> ()
    %mul3A_12 = arith.constant 625 : i32
    %mul3A_13 = arith.muli %arg1, %mul3A_12 : i32
    %add3A_14 = arith.constant 50 : i32
    %add3A_15 = arith.addi %mul3A_13, %add3A_14 : i32
    "tpu.region"() ({
      %run_scoped3A = tpu.sem_alloc : memref<!tpu.dma_semaphore, #tpu.memory_space<semaphore_mem>>
      %dma_start3A = arith.constant 0 : i32
      %dma_start3A_140 = tpu.memref_slice %arg9[%add3A_15, %dma_start3A] : memref<10000x160xf32, #tpu.memory_space<vmem_shared>> -> memref<25x160xf32, #tpu.memory_space<vmem_shared>>
      %dma_start3A_141 = arith.constant 0 : i32
      %dma_start3A_142 = tpu.memref_slice %arg9[%add3A_15, %dma_start3A_141] : memref<10000x160xf32, #tpu.memory_space<vmem_shared>> -> memref<25x160xf32, #tpu.memory_space<vmem_shared>>
      tpu.enqueue_dma source(%arg8 : memref<25x160xf32, #tpu.memory_space<vmem>>) target(%dma_start3A_142 : memref<25x160xf32, #tpu.memory_space<vmem_shared>>) target_semaphore(%run_scoped3A : memref<!tpu.dma_semaphore, #tpu.memory_space<semaphore_mem>>)
      %dma_wait3A = arith.constant 0 : i32
      %dma_wait3A_143 = tpu.memref_slice %arg9[%add3A_15, %dma_wait3A] : memref<10000x160xf32, #tpu.memory_space<vmem_shared>> -> memref<25x160xf32, #tpu.memory_space<vmem_shared>>
      %dma_wait3A_144 = arith.constant 0 : i32
      %dma_wait3A_145 = tpu.memref_slice %arg9[%add3A_15, %dma_wait3A_144] : memref<10000x160xf32, #tpu.memory_space<vmem_shared>> -> memref<25x160xf32, #tpu.memory_space<vmem_shared>>
      tpu.wait_dma2 semaphore(%run_scoped3A : memref<!tpu.dma_semaphore, #tpu.memory_space<semaphore_mem>>) src(%arg8 : memref<25x160xf32, #tpu.memory_space<vmem>>) dst(%dma_wait3A_145 : memref<25x160xf32, #tpu.memory_space<vmem_shared>>)
      tpu.yield
    }) : () -> ()
    %mul3A_16 = arith.constant 625 : i32
    %mul3A_17 = arith.muli %arg1, %mul3A_16 : i32
    %add3A_18 = arith.constant 75 : i32
    %add3A_19 = arith.addi %mul3A_17, %add3A_18 : i32
    "tpu.region"() ({
      %run_scoped3A = tpu.sem_alloc : memref<!tpu.dma_semaphore, #tpu.memory_space<semaphore_mem>>
      %dma_start3A = arith.constant 0 : i32
      %dma_start3A_140 = tpu.memref_slice %arg9[%add3A_19, %dma_start3A] : memref<10000x160xf32, #tpu.memory_space<vmem_shared>> -> memref<25x160xf32, #tpu.memory_space<vmem_shared>>
      %dma_start3A_141 = arith.constant 0 : i32
      %dma_start3A_142 = tpu.memref_slice %arg9[%add3A_19, %dma_start3A_141] : memref<10000x160xf32, #tpu.memory_space<vmem_shared>> -> memref<25x160xf32, #tpu.memory_space<vmem_shared>>
      tpu.enqueue_dma source(%arg8 : memref<25x160xf32, #tpu.memory_space<vmem>>) target(%dma_start3A_142 : memref<25x160xf32, #tpu.memory_space<vmem_shared>>) target_semaphore(%run_scoped3A : memref<!tpu.dma_semaphore, #tpu.memory_space<semaphore_mem>>)
      %dma_wait3A = arith.constant 0 : i32
      %dma_wait3A_143 = tpu.memref_slice %arg9[%add3A_19, %dma_wait3A] : memref<10000x160xf32, #tpu.memory_space<vmem_shared>> -> memref<25x160xf32, #tpu.memory_space<vmem_shared>>
      %dma_wait3A_144 = arith.constant 0 : i32
      %dma_wait3A_145 = tpu.memref_slice %arg9[%add3A_19, %dma_wait3A_144] : memref<10000x160xf32, #tpu.memory_space<vmem_shared>> -> memref<25x160xf32, #tpu.memory_space<vmem_shared>>
      tpu.wait_dma2 semaphore(%run_scoped3A : memref<!tpu.dma_semaphore, #tpu.memory_space<semaphore_mem>>) src(%arg8 : memref<25x160xf32, #tpu.memory_space<vmem>>) dst(%dma_wait3A_145 : memref<25x160xf32, #tpu.memory_space<vmem_shared>>)
      tpu.yield
    }) : () -> ()
    %mul3A_20 = arith.constant 625 : i32
    %mul3A_21 = arith.muli %arg1, %mul3A_20 : i32
    %add3A_22 = arith.constant 100 : i32
    %add3A_23 = arith.addi %mul3A_21, %add3A_22 : i32
    "tpu.region"() ({
      %run_scoped3A = tpu.sem_alloc : memref<!tpu.dma_semaphore, #tpu.memory_space<semaphore_mem>>
      %dma_start3A = arith.constant 0 : i32
      %dma_start3A_140 = tpu.memref_slice %arg9[%add3A_23, %dma_start3A] : memref<10000x160xf32, #tpu.memory_space<vmem_shared>> -> memref<25x160xf32, #tpu.memory_space<vmem_shared>>
      %dma_start3A_141 = arith.constant 0 : i32
      %dma_start3A_142 = tpu.memref_slice %arg9[%add3A_23, %dma_start3A_141] : memref<10000x160xf32, #tpu.memory_space<vmem_shared>> -> memref<25x160xf32, #tpu.memory_space<vmem_shared>>
      tpu.enqueue_dma source(%arg8 : memref<25x160xf32, #tpu.memory_space<vmem>>) target(%dma_start3A_142 : memref<25x160xf32, #tpu.memory_space<vmem_shared>>) target_semaphore(%run_scoped3A : memref<!tpu.dma_semaphore, #tpu.memory_space<semaphore_mem>>)
      %dma_wait3A = arith.constant 0 : i32
      %dma_wait3A_143 = tpu.memref_slice %arg9[%add3A_23, %dma_wait3A] : memref<10000x160xf32, #tpu.memory_space<vmem_shared>> -> memref<25x160xf32, #tpu.memory_space<vmem_shared>>
      %dma_wait3A_144 = arith.constant 0 : i32
      %dma_wait3A_145 = tpu.memref_slice %arg9[%add3A_23, %dma_wait3A_144] : memref<10000x160xf32, #tpu.memory_space<vmem_shared>> -> memref<25x160xf32, #tpu.memory_space<vmem_shared>>
      tpu.wait_dma2 semaphore(%run_scoped3A : memref<!tpu.dma_semaphore, #tpu.memory_space<semaphore_mem>>) src(%arg8 : memref<25x160xf32, #tpu.memory_space<vmem>>) dst(%dma_wait3A_145 : memref<25x160xf32, #tpu.memory_space<vmem_shared>>)
      tpu.yield
    }) : () -> ()
    %mul3A_24 = arith.constant 625 : i32
    %mul3A_25 = arith.muli %arg1, %mul3A_24 : i32
    %add3A_26 = arith.constant 125 : i32
    %add3A_27 = arith.addi %mul3A_25, %add3A_26 : i32
    "tpu.region"() ({
      %run_scoped3A = tpu.sem_alloc : memref<!tpu.dma_semaphore, #tpu.memory_space<semaphore_mem>>
      %dma_start3A = arith.constant 0 : i32
      %dma_start3A_140 = tpu.memref_slice %arg9[%add3A_27, %dma_start3A] : memref<10000x160xf32, #tpu.memory_space<vmem_shared>> -> memref<25x160xf32, #tpu.memory_space<vmem_shared>>
      %dma_start3A_141 = arith.constant 0 : i32
      %dma_start3A_142 = tpu.memref_slice %arg9[%add3A_27, %dma_start3A_141] : memref<10000x160xf32, #tpu.memory_space<vmem_shared>> -> memref<25x160xf32, #tpu.memory_space<vmem_shared>>
      tpu.enqueue_dma source(%arg8 : memref<25x160xf32, #tpu.memory_space<vmem>>) target(%dma_start3A_142 : memref<25x160xf32, #tpu.memory_space<vmem_shared>>) target_semaphore(%run_scoped3A : memref<!tpu.dma_semaphore, #tpu.memory_space<semaphore_mem>>)
      %dma_wait3A = arith.constant 0 : i32
      %dma_wait3A_143 = tpu.memref_slice %arg9[%add3A_27, %dma_wait3A] : memref<10000x160xf32, #tpu.memory_space<vmem_shared>> -> memref<25x160xf32, #tpu.memory_space<vmem_shared>>
      %dma_wait3A_144 = arith.constant 0 : i32
      %dma_wait3A_145 = tpu.memref_slice %arg9[%add3A_27, %dma_wait3A_144] : memref<10000x160xf32, #tpu.memory_space<vmem_shared>> -> memref<25x160xf32, #tpu.memory_space<vmem_shared>>
      tpu.wait_dma2 semaphore(%run_scoped3A : memref<!tpu.dma_semaphore, #tpu.memory_space<semaphore_mem>>) src(%arg8 : memref<25x160xf32, #tpu.memory_space<vmem>>) dst(%dma_wait3A_145 : memref<25x160xf32, #tpu.memory_space<vmem_shared>>)
      tpu.yield
    }) : () -> ()
    %mul3A_28 = arith.constant 625 : i32
    %mul3A_29 = arith.muli %arg1, %mul3A_28 : i32
    %add3A_30 = arith.constant 150 : i32
    %add3A_31 = arith.addi %mul3A_29, %add3A_30 : i32
    "tpu.region"() ({
      %run_scoped3A = tpu.sem_alloc : memref<!tpu.dma_semaphore, #tpu.memory_space<semaphore_mem>>
      %dma_start3A = arith.constant 0 : i32
      %dma_start3A_140 = tpu.memref_slice %arg9[%add3A_31, %dma_start3A] : memref<10000x160xf32, #tpu.memory_space<vmem_shared>> -> memref<25x160xf32, #tpu.memory_space<vmem_shared>>
      %dma_start3A_141 = arith.constant 0 : i32
      %dma_start3A_142 = tpu.memref_slice %arg9[%add3A_31, %dma_start3A_141] : memref<10000x160xf32, #tpu.memory_space<vmem_shared>> -> memref<25x160xf32, #tpu.memory_space<vmem_shared>>
      tpu.enqueue_dma source(%arg8 : memref<25x160xf32, #tpu.memory_space<vmem>>) target(%dma_start3A_142 : memref<25x160xf32, #tpu.memory_space<vmem_shared>>) target_semaphore(%run_scoped3A : memref<!tpu.dma_semaphore, #tpu.memory_space<semaphore_mem>>)
      %dma_wait3A = arith.constant 0 : i32
      %dma_wait3A_143 = tpu.memref_slice %arg9[%add3A_31, %dma_wait3A] : memref<10000x160xf32, #tpu.memory_space<vmem_shared>> -> memref<25x160xf32, #tpu.memory_space<vmem_shared>>
      %dma_wait3A_144 = arith.constant 0 : i32
      %dma_wait3A_145 = tpu.memref_slice %arg9[%add3A_31, %dma_wait3A_144] : memref<10000x160xf32, #tpu.memory_space<vmem_shared>> -> memref<25x160xf32, #tpu.memory_space<vmem_shared>>
      tpu.wait_dma2 semaphore(%run_scoped3A : memref<!tpu.dma_semaphore, #tpu.memory_space<semaphore_mem>>) src(%arg8 : memref<25x160xf32, #tpu.memory_space<vmem>>) dst(%dma_wait3A_145 : memref<25x160xf32, #tpu.memory_space<vmem_shared>>)
      tpu.yield
    }) : () -> ()
    %mul3A_32 = arith.constant 625 : i32
    %mul3A_33 = arith.muli %arg1, %mul3A_32 : i32
    %add3A_34 = arith.constant 175 : i32
    %add3A_35 = arith.addi %mul3A_33, %add3A_34 : i32
    "tpu.region"() ({
      %run_scoped3A = tpu.sem_alloc : memref<!tpu.dma_semaphore, #tpu.memory_space<semaphore_mem>>
      %dma_start3A = arith.constant 0 : i32
      %dma_start3A_140 = tpu.memref_slice %arg9[%add3A_35, %dma_start3A] : memref<10000x160xf32, #tpu.memory_space<vmem_shared>> -> memref<25x160xf32, #tpu.memory_space<vmem_shared>>
      %dma_start3A_141 = arith.constant 0 : i32
      %dma_start3A_142 = tpu.memref_slice %arg9[%add3A_35, %dma_start3A_141] : memref<10000x160xf32, #tpu.memory_space<vmem_shared>> -> memref<25x160xf32, #tpu.memory_space<vmem_shared>>
      tpu.enqueue_dma source(%arg8 : memref<25x160xf32, #tpu.memory_space<vmem>>) target(%dma_start3A_142 : memref<25x160xf32, #tpu.memory_space<vmem_shared>>) target_semaphore(%run_scoped3A : memref<!tpu.dma_semaphore, #tpu.memory_space<semaphore_mem>>)
      %dma_wait3A = arith.constant 0 : i32
      %dma_wait3A_143 = tpu.memref_slice %arg9[%add3A_35, %dma_wait3A] : memref<10000x160xf32, #tpu.memory_space<vmem_shared>> -> memref<25x160xf32, #tpu.memory_space<vmem_shared>>
      %dma_wait3A_144 = arith.constant 0 : i32
      %dma_wait3A_145 = tpu.memref_slice %arg9[%add3A_35, %dma_wait3A_144] : memref<10000x160xf32, #tpu.memory_space<vmem_shared>> -> memref<25x160xf32, #tpu.memory_space<vmem_shared>>
      tpu.wait_dma2 semaphore(%run_scoped3A : memref<!tpu.dma_semaphore, #tpu.memory_space<semaphore_mem>>) src(%arg8 : memref<25x160xf32, #tpu.memory_space<vmem>>) dst(%dma_wait3A_145 : memref<25x160xf32, #tpu.memory_space<vmem_shared>>)
      tpu.yield
    }) : () -> ()
    %mul3A_36 = arith.constant 625 : i32
    %mul3A_37 = arith.muli %arg1, %mul3A_36 : i32
    %add3A_38 = arith.constant 200 : i32
    %add3A_39 = arith.addi %mul3A_37, %add3A_38 : i32
    "tpu.region"() ({
      %run_scoped3A = tpu.sem_alloc : memref<!tpu.dma_semaphore, #tpu.memory_space<semaphore_mem>>
      %dma_start3A = arith.constant 0 : i32
      %dma_start3A_140 = tpu.memref_slice %arg9[%add3A_39, %dma_start3A] : memref<10000x160xf32, #tpu.memory_space<vmem_shared>> -> memref<25x160xf32, #tpu.memory_space<vmem_shared>>
      %dma_start3A_141 = arith.constant 0 : i32
      %dma_start3A_142 = tpu.memref_slice %arg9[%add3A_39, %dma_start3A_141] : memref<10000x160xf32, #tpu.memory_space<vmem_shared>> -> memref<25x160xf32, #tpu.memory_space<vmem_shared>>
      tpu.enqueue_dma source(%arg8 : memref<25x160xf32, #tpu.memory_space<vmem>>) target(%dma_start3A_142 : memref<25x160xf32, #tpu.memory_space<vmem_shared>>) target_semaphore(%run_scoped3A : memref<!tpu.dma_semaphore, #tpu.memory_space<semaphore_mem>>)
      %dma_wait3A = arith.constant 0 : i32
      %dma_wait3A_143 = tpu.memref_slice %arg9[%add3A_39, %dma_wait3A] : memref<10000x160xf32, #tpu.memory_space<vmem_shared>> -> memref<25x160xf32, #tpu.memory_space<vmem_shared>>
      %dma_wait3A_144 = arith.constant 0 : i32
      %dma_wait3A_145 = tpu.memref_slice %arg9[%add3A_39, %dma_wait3A_144] : memref<10000x160xf32, #tpu.memory_space<vmem_shared>> -> memref<25x160xf32, #tpu.memory_space<vmem_shared>>
      tpu.wait_dma2 semaphore(%run_scoped3A : memref<!tpu.dma_semaphore, #tpu.memory_space<semaphore_mem>>) src(%arg8 : memref<25x160xf32, #tpu.memory_space<vmem>>) dst(%dma_wait3A_145 : memref<25x160xf32, #tpu.memory_space<vmem_shared>>)
      tpu.yield
    }) : () -> ()
    %mul3A_40 = arith.constant 625 : i32
    %mul3A_41 = arith.muli %arg1, %mul3A_40 : i32
    %add3A_42 = arith.constant 225 : i32
    %add3A_43 = arith.addi %mul3A_41, %add3A_42 : i32
    "tpu.region"() ({
      %run_scoped3A = tpu.sem_alloc : memref<!tpu.dma_semaphore, #tpu.memory_space<semaphore_mem>>
      %dma_start3A = arith.constant 0 : i32
      %dma_start3A_140 = tpu.memref_slice %arg9[%add3A_43, %dma_start3A] : memref<10000x160xf32, #tpu.memory_space<vmem_shared>> -> memref<25x160xf32, #tpu.memory_space<vmem_shared>>
      %dma_start3A_141 = arith.constant 0 : i32
      %dma_start3A_142 = tpu.memref_slice %arg9[%add3A_43, %dma_start3A_141] : memref<10000x160xf32, #tpu.memory_space<vmem_shared>> -> memref<25x160xf32, #tpu.memory_space<vmem_shared>>
      tpu.enqueue_dma source(%arg8 : memref<25x160xf32, #tpu.memory_space<vmem>>) target(%dma_start3A_142 : memref<25x160xf32, #tpu.memory_space<vmem_shared>>) target_semaphore(%run_scoped3A : memref<!tpu.dma_semaphore, #tpu.memory_space<semaphore_mem>>)
      %dma_wait3A = arith.constant 0 : i32
      %dma_wait3A_143 = tpu.memref_slice %arg9[%add3A_43, %dma_wait3A] : memref<10000x160xf32, #tpu.memory_space<vmem_shared>> -> memref<25x160xf32, #tpu.memory_space<vmem_shared>>
      %dma_wait3A_144 = arith.constant 0 : i32
      %dma_wait3A_145 = tpu.memref_slice %arg9[%add3A_43, %dma_wait3A_144] : memref<10000x160xf32, #tpu.memory_space<vmem_shared>> -> memref<25x160xf32, #tpu.memory_space<vmem_shared>>
      tpu.wait_dma2 semaphore(%run_scoped3A : memref<!tpu.dma_semaphore, #tpu.memory_space<semaphore_mem>>) src(%arg8 : memref<25x160xf32, #tpu.memory_space<vmem>>) dst(%dma_wait3A_145 : memref<25x160xf32, #tpu.memory_space<vmem_shared>>)
      tpu.yield
    }) : () -> ()
    %mul3A_44 = arith.constant 625 : i32
    %mul3A_45 = arith.muli %arg1, %mul3A_44 : i32
    %add3A_46 = arith.constant 250 : i32
    %add3A_47 = arith.addi %mul3A_45, %add3A_46 : i32
    "tpu.region"() ({
      %run_scoped3A = tpu.sem_alloc : memref<!tpu.dma_semaphore, #tpu.memory_space<semaphore_mem>>
      %dma_start3A = arith.constant 0 : i32
      %dma_start3A_140 = tpu.memref_slice %arg9[%add3A_47, %dma_start3A] : memref<10000x160xf32, #tpu.memory_space<vmem_shared>> -> memref<25x160xf32, #tpu.memory_space<vmem_shared>>
      %dma_start3A_141 = arith.constant 0 : i32
      %dma_start3A_142 = tpu.memref_slice %arg9[%add3A_47, %dma_start3A_141] : memref<10000x160xf32, #tpu.memory_space<vmem_shared>> -> memref<25x160xf32, #tpu.memory_space<vmem_shared>>
      tpu.enqueue_dma source(%arg8 : memref<25x160xf32, #tpu.memory_space<vmem>>) target(%dma_start3A_142 : memref<25x160xf32, #tpu.memory_space<vmem_shared>>) target_semaphore(%run_scoped3A : memref<!tpu.dma_semaphore, #tpu.memory_space<semaphore_mem>>)
      %dma_wait3A = arith.constant 0 : i32
      %dma_wait3A_143 = tpu.memref_slice %arg9[%add3A_47, %dma_wait3A] : memref<10000x160xf32, #tpu.memory_space<vmem_shared>> -> memref<25x160xf32, #tpu.memory_space<vmem_shared>>
      %dma_wait3A_144 = arith.constant 0 : i32
      %dma_wait3A_145 = tpu.memref_slice %arg9[%add3A_47, %dma_wait3A_144] : memref<10000x160xf32, #tpu.memory_space<vmem_shared>> -> memref<25x160xf32, #tpu.memory_space<vmem_shared>>
      tpu.wait_dma2 semaphore(%run_scoped3A : memref<!tpu.dma_semaphore, #tpu.memory_space<semaphore_mem>>) src(%arg8 : memref<25x160xf32, #tpu.memory_space<vmem>>) dst(%dma_wait3A_145 : memref<25x160xf32, #tpu.memory_space<vmem_shared>>)
      tpu.yield
    }) : () -> ()
    %mul3A_48 = arith.constant 625 : i32
    %mul3A_49 = arith.muli %arg1, %mul3A_48 : i32
    %add3A_50 = arith.constant 275 : i32
    %add3A_51 = arith.addi %mul3A_49, %add3A_50 : i32
    "tpu.region"() ({
      %run_scoped3A = tpu.sem_alloc : memref<!tpu.dma_semaphore, #tpu.memory_space<semaphore_mem>>
      %dma_start3A = arith.constant 0 : i32
      %dma_start3A_140 = tpu.memref_slice %arg9[%add3A_51, %dma_start3A] : memref<10000x160xf32, #tpu.memory_space<vmem_shared>> -> memref<25x160xf32, #tpu.memory_space<vmem_shared>>
      %dma_start3A_141 = arith.constant 0 : i32
      %dma_start3A_142 = tpu.memref_slice %arg9[%add3A_51, %dma_start3A_141] : memref<10000x160xf32, #tpu.memory_space<vmem_shared>> -> memref<25x160xf32, #tpu.memory_space<vmem_shared>>
      tpu.enqueue_dma source(%arg8 : memref<25x160xf32, #tpu.memory_space<vmem>>) target(%dma_start3A_142 : memref<25x160xf32, #tpu.memory_space<vmem_shared>>) target_semaphore(%run_scoped3A : memref<!tpu.dma_semaphore, #tpu.memory_space<semaphore_mem>>)
      %dma_wait3A = arith.constant 0 : i32
      %dma_wait3A_143 = tpu.memref_slice %arg9[%add3A_51, %dma_wait3A] : memref<10000x160xf32, #tpu.memory_space<vmem_shared>> -> memref<25x160xf32, #tpu.memory_space<vmem_shared>>
      %dma_wait3A_144 = arith.constant 0 : i32
      %dma_wait3A_145 = tpu.memref_slice %arg9[%add3A_51, %dma_wait3A_144] : memref<10000x160xf32, #tpu.memory_space<vmem_shared>> -> memref<25x160xf32, #tpu.memory_space<vmem_shared>>
      tpu.wait_dma2 semaphore(%run_scoped3A : memref<!tpu.dma_semaphore, #tpu.memory_space<semaphore_mem>>) src(%arg8 : memref<25x160xf32, #tpu.memory_space<vmem>>) dst(%dma_wait3A_145 : memref<25x160xf32, #tpu.memory_space<vmem_shared>>)
      tpu.yield
    }) : () -> ()
    %mul3A_52 = arith.constant 625 : i32
    %mul3A_53 = arith.muli %arg1, %mul3A_52 : i32
    %add3A_54 = arith.constant 300 : i32
    %add3A_55 = arith.addi %mul3A_53, %add3A_54 : i32
    "tpu.region"() ({
      %run_scoped3A = tpu.sem_alloc : memref<!tpu.dma_semaphore, #tpu.memory_space<semaphore_mem>>
      %dma_start3A = arith.constant 0 : i32
      %dma_start3A_140 = tpu.memref_slice %arg9[%add3A_55, %dma_start3A] : memref<10000x160xf32, #tpu.memory_space<vmem_shared>> -> memref<25x160xf32, #tpu.memory_space<vmem_shared>>
      %dma_start3A_141 = arith.constant 0 : i32
      %dma_start3A_142 = tpu.memref_slice %arg9[%add3A_55, %dma_start3A_141] : memref<10000x160xf32, #tpu.memory_space<vmem_shared>> -> memref<25x160xf32, #tpu.memory_space<vmem_shared>>
      tpu.enqueue_dma source(%arg8 : memref<25x160xf32, #tpu.memory_space<vmem>>) target(%dma_start3A_142 : memref<25x160xf32, #tpu.memory_space<vmem_shared>>) target_semaphore(%run_scoped3A : memref<!tpu.dma_semaphore, #tpu.memory_space<semaphore_mem>>)
      %dma_wait3A = arith.constant 0 : i32
      %dma_wait3A_143 = tpu.memref_slice %arg9[%add3A_55, %dma_wait3A] : memref<10000x160xf32, #tpu.memory_space<vmem_shared>> -> memref<25x160xf32, #tpu.memory_space<vmem_shared>>
      %dma_wait3A_144 = arith.constant 0 : i32
      %dma_wait3A_145 = tpu.memref_slice %arg9[%add3A_55, %dma_wait3A_144] : memref<10000x160xf32, #tpu.memory_space<vmem_shared>> -> memref<25x160xf32, #tpu.memory_space<vmem_shared>>
      tpu.wait_dma2 semaphore(%run_scoped3A : memref<!tpu.dma_semaphore, #tpu.memory_space<semaphore_mem>>) src(%arg8 : memref<25x160xf32, #tpu.memory_space<vmem>>) dst(%dma_wait3A_145 : memref<25x160xf32, #tpu.memory_space<vmem_shared>>)
      tpu.yield
    }) : () -> ()
    %mul3A_56 = arith.constant 625 : i32
    %mul3A_57 = arith.muli %arg1, %mul3A_56 : i32
    %add3A_58 = arith.constant 325 : i32
    %add3A_59 = arith.addi %mul3A_57, %add3A_58 : i32
    "tpu.region"() ({
      %run_scoped3A = tpu.sem_alloc : memref<!tpu.dma_semaphore, #tpu.memory_space<semaphore_mem>>
      %dma_start3A = arith.constant 0 : i32
      %dma_start3A_140 = tpu.memref_slice %arg9[%add3A_59, %dma_start3A] : memref<10000x160xf32, #tpu.memory_space<vmem_shared>> -> memref<25x160xf32, #tpu.memory_space<vmem_shared>>
      %dma_start3A_141 = arith.constant 0 : i32
      %dma_start3A_142 = tpu.memref_slice %arg9[%add3A_59, %dma_start3A_141] : memref<10000x160xf32, #tpu.memory_space<vmem_shared>> -> memref<25x160xf32, #tpu.memory_space<vmem_shared>>
      tpu.enqueue_dma source(%arg8 : memref<25x160xf32, #tpu.memory_space<vmem>>) target(%dma_start3A_142 : memref<25x160xf32, #tpu.memory_space<vmem_shared>>) target_semaphore(%run_scoped3A : memref<!tpu.dma_semaphore, #tpu.memory_space<semaphore_mem>>)
      %dma_wait3A = arith.constant 0 : i32
      %dma_wait3A_143 = tpu.memref_slice %arg9[%add3A_59, %dma_wait3A] : memref<10000x160xf32, #tpu.memory_space<vmem_shared>> -> memref<25x160xf32, #tpu.memory_space<vmem_shared>>
      %dma_wait3A_144 = arith.constant 0 : i32
      %dma_wait3A_145 = tpu.memref_slice %arg9[%add3A_59, %dma_wait3A_144] : memref<10000x160xf32, #tpu.memory_space<vmem_shared>> -> memref<25x160xf32, #tpu.memory_space<vmem_shared>>
      tpu.wait_dma2 semaphore(%run_scoped3A : memref<!tpu.dma_semaphore, #tpu.memory_space<semaphore_mem>>) src(%arg8 : memref<25x160xf32, #tpu.memory_space<vmem>>) dst(%dma_wait3A_145 : memref<25x160xf32, #tpu.memory_space<vmem_shared>>)
      tpu.yield
    }) : () -> ()
    %mul3A_60 = arith.constant 625 : i32
    %mul3A_61 = arith.muli %arg1, %mul3A_60 : i32
    %add3A_62 = arith.constant 350 : i32
    %add3A_63 = arith.addi %mul3A_61, %add3A_62 : i32
    "tpu.region"() ({
      %run_scoped3A = tpu.sem_alloc : memref<!tpu.dma_semaphore, #tpu.memory_space<semaphore_mem>>
      %dma_start3A = arith.constant 0 : i32
      %dma_start3A_140 = tpu.memref_slice %arg9[%add3A_63, %dma_start3A] : memref<10000x160xf32, #tpu.memory_space<vmem_shared>> -> memref<25x160xf32, #tpu.memory_space<vmem_shared>>
      %dma_start3A_141 = arith.constant 0 : i32
      %dma_start3A_142 = tpu.memref_slice %arg9[%add3A_63, %dma_start3A_141] : memref<10000x160xf32, #tpu.memory_space<vmem_shared>> -> memref<25x160xf32, #tpu.memory_space<vmem_shared>>
      tpu.enqueue_dma source(%arg8 : memref<25x160xf32, #tpu.memory_space<vmem>>) target(%dma_start3A_142 : memref<25x160xf32, #tpu.memory_space<vmem_shared>>) target_semaphore(%run_scoped3A : memref<!tpu.dma_semaphore, #tpu.memory_space<semaphore_mem>>)
      %dma_wait3A = arith.constant 0 : i32
      %dma_wait3A_143 = tpu.memref_slice %arg9[%add3A_63, %dma_wait3A] : memref<10000x160xf32, #tpu.memory_space<vmem_shared>> -> memref<25x160xf32, #tpu.memory_space<vmem_shared>>
      %dma_wait3A_144 = arith.constant 0 : i32
      %dma_wait3A_145 = tpu.memref_slice %arg9[%add3A_63, %dma_wait3A_144] : memref<10000x160xf32, #tpu.memory_space<vmem_shared>> -> memref<25x160xf32, #tpu.memory_space<vmem_shared>>
      tpu.wait_dma2 semaphore(%run_scoped3A : memref<!tpu.dma_semaphore, #tpu.memory_space<semaphore_mem>>) src(%arg8 : memref<25x160xf32, #tpu.memory_space<vmem>>) dst(%dma_wait3A_145 : memref<25x160xf32, #tpu.memory_space<vmem_shared>>)
      tpu.yield
    }) : () -> ()
    %mul3A_64 = arith.constant 625 : i32
    %mul3A_65 = arith.muli %arg1, %mul3A_64 : i32
    %add3A_66 = arith.constant 375 : i32
    %add3A_67 = arith.addi %mul3A_65, %add3A_66 : i32
    "tpu.region"() ({
      %run_scoped3A = tpu.sem_alloc : memref<!tpu.dma_semaphore, #tpu.memory_space<semaphore_mem>>
      %dma_start3A = arith.constant 0 : i32
      %dma_start3A_140 = tpu.memref_slice %arg9[%add3A_67, %dma_start3A] : memref<10000x160xf32, #tpu.memory_space<vmem_shared>> -> memref<25x160xf32, #tpu.memory_space<vmem_shared>>
      %dma_start3A_141 = arith.constant 0 : i32
      %dma_start3A_142 = tpu.memref_slice %arg9[%add3A_67, %dma_start3A_141] : memref<10000x160xf32, #tpu.memory_space<vmem_shared>> -> memref<25x160xf32, #tpu.memory_space<vmem_shared>>
      tpu.enqueue_dma source(%arg8 : memref<25x160xf32, #tpu.memory_space<vmem>>) target(%dma_start3A_142 : memref<25x160xf32, #tpu.memory_space<vmem_shared>>) target_semaphore(%run_scoped3A : memref<!tpu.dma_semaphore, #tpu.memory_space<semaphore_mem>>)
      %dma_wait3A = arith.constant 0 : i32
      %dma_wait3A_143 = tpu.memref_slice %arg9[%add3A_67, %dma_wait3A] : memref<10000x160xf32, #tpu.memory_space<vmem_shared>> -> memref<25x160xf32, #tpu.memory_space<vmem_shared>>
      %dma_wait3A_144 = arith.constant 0 : i32
      %dma_wait3A_145 = tpu.memref_slice %arg9[%add3A_67, %dma_wait3A_144] : memref<10000x160xf32, #tpu.memory_space<vmem_shared>> -> memref<25x160xf32, #tpu.memory_space<vmem_shared>>
      tpu.wait_dma2 semaphore(%run_scoped3A : memref<!tpu.dma_semaphore, #tpu.memory_space<semaphore_mem>>) src(%arg8 : memref<25x160xf32, #tpu.memory_space<vmem>>) dst(%dma_wait3A_145 : memref<25x160xf32, #tpu.memory_space<vmem_shared>>)
      tpu.yield
    }) : () -> ()
    %mul3A_68 = arith.constant 625 : i32
    %mul3A_69 = arith.muli %arg1, %mul3A_68 : i32
    %add3A_70 = arith.constant 400 : i32
    %add3A_71 = arith.addi %mul3A_69, %add3A_70 : i32
    "tpu.region"() ({
      %run_scoped3A = tpu.sem_alloc : memref<!tpu.dma_semaphore, #tpu.memory_space<semaphore_mem>>
      %dma_start3A = arith.constant 0 : i32
      %dma_start3A_140 = tpu.memref_slice %arg9[%add3A_71, %dma_start3A] : memref<10000x160xf32, #tpu.memory_space<vmem_shared>> -> memref<25x160xf32, #tpu.memory_space<vmem_shared>>
      %dma_start3A_141 = arith.constant 0 : i32
      %dma_start3A_142 = tpu.memref_slice %arg9[%add3A_71, %dma_start3A_141] : memref<10000x160xf32, #tpu.memory_space<vmem_shared>> -> memref<25x160xf32, #tpu.memory_space<vmem_shared>>
      tpu.enqueue_dma source(%arg8 : memref<25x160xf32, #tpu.memory_space<vmem>>) target(%dma_start3A_142 : memref<25x160xf32, #tpu.memory_space<vmem_shared>>) target_semaphore(%run_scoped3A : memref<!tpu.dma_semaphore, #tpu.memory_space<semaphore_mem>>)
      %dma_wait3A = arith.constant 0 : i32
      %dma_wait3A_143 = tpu.memref_slice %arg9[%add3A_71, %dma_wait3A] : memref<10000x160xf32, #tpu.memory_space<vmem_shared>> -> memref<25x160xf32, #tpu.memory_space<vmem_shared>>
      %dma_wait3A_144 = arith.constant 0 : i32
      %dma_wait3A_145 = tpu.memref_slice %arg9[%add3A_71, %dma_wait3A_144] : memref<10000x160xf32, #tpu.memory_space<vmem_shared>> -> memref<25x160xf32, #tpu.memory_space<vmem_shared>>
      tpu.wait_dma2 semaphore(%run_scoped3A : memref<!tpu.dma_semaphore, #tpu.memory_space<semaphore_mem>>) src(%arg8 : memref<25x160xf32, #tpu.memory_space<vmem>>) dst(%dma_wait3A_145 : memref<25x160xf32, #tpu.memory_space<vmem_shared>>)
      tpu.yield
    }) : () -> ()
    %mul3A_72 = arith.constant 625 : i32
    %mul3A_73 = arith.muli %arg1, %mul3A_72 : i32
    %add3A_74 = arith.constant 425 : i32
    %add3A_75 = arith.addi %mul3A_73, %add3A_74 : i32
    "tpu.region"() ({
      %run_scoped3A = tpu.sem_alloc : memref<!tpu.dma_semaphore, #tpu.memory_space<semaphore_mem>>
      %dma_start3A = arith.constant 0 : i32
      %dma_start3A_140 = tpu.memref_slice %arg9[%add3A_75, %dma_start3A] : memref<10000x160xf32, #tpu.memory_space<vmem_shared>> -> memref<25x160xf32, #tpu.memory_space<vmem_shared>>
      %dma_start3A_141 = arith.constant 0 : i32
      %dma_start3A_142 = tpu.memref_slice %arg9[%add3A_75, %dma_start3A_141] : memref<10000x160xf32, #tpu.memory_space<vmem_shared>> -> memref<25x160xf32, #tpu.memory_space<vmem_shared>>
      tpu.enqueue_dma source(%arg8 : memref<25x160xf32, #tpu.memory_space<vmem>>) target(%dma_start3A_142 : memref<25x160xf32, #tpu.memory_space<vmem_shared>>) target_semaphore(%run_scoped3A : memref<!tpu.dma_semaphore, #tpu.memory_space<semaphore_mem>>)
      %dma_wait3A = arith.constant 0 : i32
      %dma_wait3A_143 = tpu.memref_slice %arg9[%add3A_75, %dma_wait3A] : memref<10000x160xf32, #tpu.memory_space<vmem_shared>> -> memref<25x160xf32, #tpu.memory_space<vmem_shared>>
      %dma_wait3A_144 = arith.constant 0 : i32
      %dma_wait3A_145 = tpu.memref_slice %arg9[%add3A_75, %dma_wait3A_144] : memref<10000x160xf32, #tpu.memory_space<vmem_shared>> -> memref<25x160xf32, #tpu.memory_space<vmem_shared>>
      tpu.wait_dma2 semaphore(%run_scoped3A : memref<!tpu.dma_semaphore, #tpu.memory_space<semaphore_mem>>) src(%arg8 : memref<25x160xf32, #tpu.memory_space<vmem>>) dst(%dma_wait3A_145 : memref<25x160xf32, #tpu.memory_space<vmem_shared>>)
      tpu.yield
    }) : () -> ()
    %mul3A_76 = arith.constant 625 : i32
    %mul3A_77 = arith.muli %arg1, %mul3A_76 : i32
    %add3A_78 = arith.constant 450 : i32
    %add3A_79 = arith.addi %mul3A_77, %add3A_78 : i32
    "tpu.region"() ({
      %run_scoped3A = tpu.sem_alloc : memref<!tpu.dma_semaphore, #tpu.memory_space<semaphore_mem>>
      %dma_start3A = arith.constant 0 : i32
      %dma_start3A_140 = tpu.memref_slice %arg9[%add3A_79, %dma_start3A] : memref<10000x160xf32, #tpu.memory_space<vmem_shared>> -> memref<25x160xf32, #tpu.memory_space<vmem_shared>>
      %dma_start3A_141 = arith.constant 0 : i32
      %dma_start3A_142 = tpu.memref_slice %arg9[%add3A_79, %dma_start3A_141] : memref<10000x160xf32, #tpu.memory_space<vmem_shared>> -> memref<25x160xf32, #tpu.memory_space<vmem_shared>>
      tpu.enqueue_dma source(%arg8 : memref<25x160xf32, #tpu.memory_space<vmem>>) target(%dma_start3A_142 : memref<25x160xf32, #tpu.memory_space<vmem_shared>>) target_semaphore(%run_scoped3A : memref<!tpu.dma_semaphore, #tpu.memory_space<semaphore_mem>>)
      %dma_wait3A = arith.constant 0 : i32
      %dma_wait3A_143 = tpu.memref_slice %arg9[%add3A_79, %dma_wait3A] : memref<10000x160xf32, #tpu.memory_space<vmem_shared>> -> memref<25x160xf32, #tpu.memory_space<vmem_shared>>
      %dma_wait3A_144 = arith.constant 0 : i32
      %dma_wait3A_145 = tpu.memref_slice %arg9[%add3A_79, %dma_wait3A_144] : memref<10000x160xf32, #tpu.memory_space<vmem_shared>> -> memref<25x160xf32, #tpu.memory_space<vmem_shared>>
      tpu.wait_dma2 semaphore(%run_scoped3A : memref<!tpu.dma_semaphore, #tpu.memory_space<semaphore_mem>>) src(%arg8 : memref<25x160xf32, #tpu.memory_space<vmem>>) dst(%dma_wait3A_145 : memref<25x160xf32, #tpu.memory_space<vmem_shared>>)
      tpu.yield
    }) : () -> ()
    %mul3A_80 = arith.constant 625 : i32
    %mul3A_81 = arith.muli %arg1, %mul3A_80 : i32
    %add3A_82 = arith.constant 475 : i32
    %add3A_83 = arith.addi %mul3A_81, %add3A_82 : i32
    "tpu.region"() ({
      %run_scoped3A = tpu.sem_alloc : memref<!tpu.dma_semaphore, #tpu.memory_space<semaphore_mem>>
      %dma_start3A = arith.constant 0 : i32
      %dma_start3A_140 = tpu.memref_slice %arg9[%add3A_83, %dma_start3A] : memref<10000x160xf32, #tpu.memory_space<vmem_shared>> -> memref<25x160xf32, #tpu.memory_space<vmem_shared>>
      %dma_start3A_141 = arith.constant 0 : i32
      %dma_start3A_142 = tpu.memref_slice %arg9[%add3A_83, %dma_start3A_141] : memref<10000x160xf32, #tpu.memory_space<vmem_shared>> -> memref<25x160xf32, #tpu.memory_space<vmem_shared>>
      tpu.enqueue_dma source(%arg8 : memref<25x160xf32, #tpu.memory_space<vmem>>) target(%dma_start3A_142 : memref<25x160xf32, #tpu.memory_space<vmem_shared>>) target_semaphore(%run_scoped3A : memref<!tpu.dma_semaphore, #tpu.memory_space<semaphore_mem>>)
      %dma_wait3A = arith.constant 0 : i32
      %dma_wait3A_143 = tpu.memref_slice %arg9[%add3A_83, %dma_wait3A] : memref<10000x160xf32, #tpu.memory_space<vmem_shared>> -> memref<25x160xf32, #tpu.memory_space<vmem_shared>>
      %dma_wait3A_144 = arith.constant 0 : i32
      %dma_wait3A_145 = tpu.memref_slice %arg9[%add3A_83, %dma_wait3A_144] : memref<10000x160xf32, #tpu.memory_space<vmem_shared>> -> memref<25x160xf32, #tpu.memory_space<vmem_shared>>
      tpu.wait_dma2 semaphore(%run_scoped3A : memref<!tpu.dma_semaphore, #tpu.memory_space<semaphore_mem>>) src(%arg8 : memref<25x160xf32, #tpu.memory_space<vmem>>) dst(%dma_wait3A_145 : memref<25x160xf32, #tpu.memory_space<vmem_shared>>)
      tpu.yield
    }) : () -> ()
    %mul3A_84 = arith.constant 625 : i32
    %mul3A_85 = arith.muli %arg1, %mul3A_84 : i32
    %add3A_86 = arith.constant 500 : i32
    %add3A_87 = arith.addi %mul3A_85, %add3A_86 : i32
    "tpu.region"() ({
      %run_scoped3A = tpu.sem_alloc : memref<!tpu.dma_semaphore, #tpu.memory_space<semaphore_mem>>
      %dma_start3A = arith.constant 0 : i32
      %dma_start3A_140 = tpu.memref_slice %arg9[%add3A_87, %dma_start3A] : memref<10000x160xf32, #tpu.memory_space<vmem_shared>> -> memref<25x160xf32, #tpu.memory_space<vmem_shared>>
      %dma_start3A_141 = arith.constant 0 : i32
      %dma_start3A_142 = tpu.memref_slice %arg9[%add3A_87, %dma_start3A_141] : memref<10000x160xf32, #tpu.memory_space<vmem_shared>> -> memref<25x160xf32, #tpu.memory_space<vmem_shared>>
      tpu.enqueue_dma source(%arg8 : memref<25x160xf32, #tpu.memory_space<vmem>>) target(%dma_start3A_142 : memref<25x160xf32, #tpu.memory_space<vmem_shared>>) target_semaphore(%run_scoped3A : memref<!tpu.dma_semaphore, #tpu.memory_space<semaphore_mem>>)
      %dma_wait3A = arith.constant 0 : i32
      %dma_wait3A_143 = tpu.memref_slice %arg9[%add3A_87, %dma_wait3A] : memref<10000x160xf32, #tpu.memory_space<vmem_shared>> -> memref<25x160xf32, #tpu.memory_space<vmem_shared>>
      %dma_wait3A_144 = arith.constant 0 : i32
      %dma_wait3A_145 = tpu.memref_slice %arg9[%add3A_87, %dma_wait3A_144] : memref<10000x160xf32, #tpu.memory_space<vmem_shared>> -> memref<25x160xf32, #tpu.memory_space<vmem_shared>>
      tpu.wait_dma2 semaphore(%run_scoped3A : memref<!tpu.dma_semaphore, #tpu.memory_space<semaphore_mem>>) src(%arg8 : memref<25x160xf32, #tpu.memory_space<vmem>>) dst(%dma_wait3A_145 : memref<25x160xf32, #tpu.memory_space<vmem_shared>>)
      tpu.yield
    }) : () -> ()
    %mul3A_88 = arith.constant 625 : i32
    %mul3A_89 = arith.muli %arg1, %mul3A_88 : i32
    %add3A_90 = arith.constant 525 : i32
    %add3A_91 = arith.addi %mul3A_89, %add3A_90 : i32
    "tpu.region"() ({
      %run_scoped3A = tpu.sem_alloc : memref<!tpu.dma_semaphore, #tpu.memory_space<semaphore_mem>>
      %dma_start3A = arith.constant 0 : i32
      %dma_start3A_140 = tpu.memref_slice %arg9[%add3A_91, %dma_start3A] : memref<10000x160xf32, #tpu.memory_space<vmem_shared>> -> memref<25x160xf32, #tpu.memory_space<vmem_shared>>
      %dma_start3A_141 = arith.constant 0 : i32
      %dma_start3A_142 = tpu.memref_slice %arg9[%add3A_91, %dma_start3A_141] : memref<10000x160xf32, #tpu.memory_space<vmem_shared>> -> memref<25x160xf32, #tpu.memory_space<vmem_shared>>
      tpu.enqueue_dma source(%arg8 : memref<25x160xf32, #tpu.memory_space<vmem>>) target(%dma_start3A_142 : memref<25x160xf32, #tpu.memory_space<vmem_shared>>) target_semaphore(%run_scoped3A : memref<!tpu.dma_semaphore, #tpu.memory_space<semaphore_mem>>)
      %dma_wait3A = arith.constant 0 : i32
      %dma_wait3A_143 = tpu.memref_slice %arg9[%add3A_91, %dma_wait3A] : memref<10000x160xf32, #tpu.memory_space<vmem_shared>> -> memref<25x160xf32, #tpu.memory_space<vmem_shared>>
      %dma_wait3A_144 = arith.constant 0 : i32
      %dma_wait3A_145 = tpu.memref_slice %arg9[%add3A_91, %dma_wait3A_144] : memref<10000x160xf32, #tpu.memory_space<vmem_shared>> -> memref<25x160xf32, #tpu.memory_space<vmem_shared>>
      tpu.wait_dma2 semaphore(%run_scoped3A : memref<!tpu.dma_semaphore, #tpu.memory_space<semaphore_mem>>) src(%arg8 : memref<25x160xf32, #tpu.memory_space<vmem>>) dst(%dma_wait3A_145 : memref<25x160xf32, #tpu.memory_space<vmem_shared>>)
      tpu.yield
    }) : () -> ()
    %mul3A_92 = arith.constant 625 : i32
    %mul3A_93 = arith.muli %arg1, %mul3A_92 : i32
    %add3A_94 = arith.constant 550 : i32
    %add3A_95 = arith.addi %mul3A_93, %add3A_94 : i32
    "tpu.region"() ({
      %run_scoped3A = tpu.sem_alloc : memref<!tpu.dma_semaphore, #tpu.memory_space<semaphore_mem>>
      %dma_start3A = arith.constant 0 : i32
      %dma_start3A_140 = tpu.memref_slice %arg9[%add3A_95, %dma_start3A] : memref<10000x160xf32, #tpu.memory_space<vmem_shared>> -> memref<25x160xf32, #tpu.memory_space<vmem_shared>>
      %dma_start3A_141 = arith.constant 0 : i32
      %dma_start3A_142 = tpu.memref_slice %arg9[%add3A_95, %dma_start3A_141] : memref<10000x160xf32, #tpu.memory_space<vmem_shared>> -> memref<25x160xf32, #tpu.memory_space<vmem_shared>>
      tpu.enqueue_dma source(%arg8 : memref<25x160xf32, #tpu.memory_space<vmem>>) target(%dma_start3A_142 : memref<25x160xf32, #tpu.memory_space<vmem_shared>>) target_semaphore(%run_scoped3A : memref<!tpu.dma_semaphore, #tpu.memory_space<semaphore_mem>>)
      %dma_wait3A = arith.constant 0 : i32
      %dma_wait3A_143 = tpu.memref_slice %arg9[%add3A_95, %dma_wait3A] : memref<10000x160xf32, #tpu.memory_space<vmem_shared>> -> memref<25x160xf32, #tpu.memory_space<vmem_shared>>
      %dma_wait3A_144 = arith.constant 0 : i32
      %dma_wait3A_145 = tpu.memref_slice %arg9[%add3A_95, %dma_wait3A_144] : memref<10000x160xf32, #tpu.memory_space<vmem_shared>> -> memref<25x160xf32, #tpu.memory_space<vmem_shared>>
      tpu.wait_dma2 semaphore(%run_scoped3A : memref<!tpu.dma_semaphore, #tpu.memory_space<semaphore_mem>>) src(%arg8 : memref<25x160xf32, #tpu.memory_space<vmem>>) dst(%dma_wait3A_145 : memref<25x160xf32, #tpu.memory_space<vmem_shared>>)
      tpu.yield
    }) : () -> ()
    %mul3A_96 = arith.constant 625 : i32
    %mul3A_97 = arith.muli %arg1, %mul3A_96 : i32
    %add3A_98 = arith.constant 575 : i32
    %add3A_99 = arith.addi %mul3A_97, %add3A_98 : i32
    "tpu.region"() ({
      %run_scoped3A = tpu.sem_alloc : memref<!tpu.dma_semaphore, #tpu.memory_space<semaphore_mem>>
      %dma_start3A = arith.constant 0 : i32
      %dma_start3A_140 = tpu.memref_slice %arg9[%add3A_99, %dma_start3A] : memref<10000x160xf32, #tpu.memory_space<vmem_shared>> -> memref<25x160xf32, #tpu.memory_space<vmem_shared>>
      %dma_start3A_141 = arith.constant 0 : i32
      %dma_start3A_142 = tpu.memref_slice %arg9[%add3A_99, %dma_start3A_141] : memref<10000x160xf32, #tpu.memory_space<vmem_shared>> -> memref<25x160xf32, #tpu.memory_space<vmem_shared>>
      tpu.enqueue_dma source(%arg8 : memref<25x160xf32, #tpu.memory_space<vmem>>) target(%dma_start3A_142 : memref<25x160xf32, #tpu.memory_space<vmem_shared>>) target_semaphore(%run_scoped3A : memref<!tpu.dma_semaphore, #tpu.memory_space<semaphore_mem>>)
      %dma_wait3A = arith.constant 0 : i32
      %dma_wait3A_143 = tpu.memref_slice %arg9[%add3A_99, %dma_wait3A] : memref<10000x160xf32, #tpu.memory_space<vmem_shared>> -> memref<25x160xf32, #tpu.memory_space<vmem_shared>>
      %dma_wait3A_144 = arith.constant 0 : i32
      %dma_wait3A_145 = tpu.memref_slice %arg9[%add3A_99, %dma_wait3A_144] : memref<10000x160xf32, #tpu.memory_space<vmem_shared>> -> memref<25x160xf32, #tpu.memory_space<vmem_shared>>
      tpu.wait_dma2 semaphore(%run_scoped3A : memref<!tpu.dma_semaphore, #tpu.memory_space<semaphore_mem>>) src(%arg8 : memref<25x160xf32, #tpu.memory_space<vmem>>) dst(%dma_wait3A_145 : memref<25x160xf32, #tpu.memory_space<vmem_shared>>)
      tpu.yield
    }) : () -> ()
    %mul3A_100 = arith.constant 625 : i32
    %mul3A_101 = arith.muli %arg1, %mul3A_100 : i32
    %add3A_102 = arith.constant 600 : i32
    %add3A_103 = arith.addi %mul3A_101, %add3A_102 : i32
    "tpu.region"() ({
      %run_scoped3A = tpu.sem_alloc : memref<!tpu.dma_semaphore, #tpu.memory_space<semaphore_mem>>
      %dma_start3A = arith.constant 0 : i32
      %dma_start3A_140 = tpu.memref_slice %arg9[%add3A_103, %dma_start3A] : memref<10000x160xf32, #tpu.memory_space<vmem_shared>> -> memref<25x160xf32, #tpu.memory_space<vmem_shared>>
      %dma_start3A_141 = arith.constant 0 : i32
      %dma_start3A_142 = tpu.memref_slice %arg9[%add3A_103, %dma_start3A_141] : memref<10000x160xf32, #tpu.memory_space<vmem_shared>> -> memref<25x160xf32, #tpu.memory_space<vmem_shared>>
      tpu.enqueue_dma source(%arg8 : memref<25x160xf32, #tpu.memory_space<vmem>>) target(%dma_start3A_142 : memref<25x160xf32, #tpu.memory_space<vmem_shared>>) target_semaphore(%run_scoped3A : memref<!tpu.dma_semaphore, #tpu.memory_space<semaphore_mem>>)
      %dma_wait3A = arith.constant 0 : i32
      %dma_wait3A_143 = tpu.memref_slice %arg9[%add3A_103, %dma_wait3A] : memref<10000x160xf32, #tpu.memory_space<vmem_shared>> -> memref<25x160xf32, #tpu.memory_space<vmem_shared>>
      %dma_wait3A_144 = arith.constant 0 : i32
      %dma_wait3A_145 = tpu.memref_slice %arg9[%add3A_103, %dma_wait3A_144] : memref<10000x160xf32, #tpu.memory_space<vmem_shared>> -> memref<25x160xf32, #tpu.memory_space<vmem_shared>>
      tpu.wait_dma2 semaphore(%run_scoped3A : memref<!tpu.dma_semaphore, #tpu.memory_space<semaphore_mem>>) src(%arg8 : memref<25x160xf32, #tpu.memory_space<vmem>>) dst(%dma_wait3A_145 : memref<25x160xf32, #tpu.memory_space<vmem_shared>>)
      tpu.yield
    }) : () -> ()
    %barrier3A = arith.constant 0 : index
    tpu.barrier barrier_id(%barrier3A)
    %sub3A = arith.constant 1250 : i32
    %sub3A_104 = arith.subi %sub3A, %arg1 : i32
    %add3A_105 = arith.constant 16 : i32
    %add3A_106 = arith.addi %sub3A_104, %add3A_105 : i32
    %sub3A_107 = arith.constant 1 : i32
    %sub3A_108 = arith.subi %add3A_106, %sub3A_107 : i32
    %jit3A = arith.constant 16 : i32
    %div3A = arith.divsi %sub3A_108, %jit3A : i32
    %sign3A = arith.constant 0 : i32
    %sign3A_109 = arith.cmpi sgt, %sub3A_108, %sign3A : i32
    %sign3A_110 = arith.extui %sign3A_109 : i1 to i32
    %sign3A_111 = arith.constant 0 : i32
    %sign3A_112 = arith.cmpi slt, %sub3A_108, %sign3A_111 : i32
    %sign3A_113 = arith.extui %sign3A_112 : i1 to i32
    %sign3A_114 = arith.subi %sign3A_110, %sign3A_113 : i32
    %sign3A_115 = arith.constant 0 : i32
    %sign3A_116 = arith.cmpi sgt, %jit3A, %sign3A_115 : i32
    %sign3A_117 = arith.extui %sign3A_116 : i1 to i32
    %sign3A_118 = arith.constant 0 : i32
    %sign3A_119 = arith.cmpi slt, %jit3A, %sign3A_118 : i32
    %sign3A_120 = arith.extui %sign3A_119 : i1 to i32
    %sign3A_121 = arith.subi %sign3A_117, %sign3A_120 : i32
    %ne3A = arith.cmpi ne, %sign3A_114, %sign3A_121 : i32
    %rem3A = arith.remsi %sub3A_108, %jit3A : i32
    %ne3A_122 = arith.constant 0 : i32
    %ne3A_123 = arith.cmpi ne, %rem3A, %ne3A_122 : i32
    %and3A = arith.andi %ne3A, %ne3A_123 : i1
    %sub3A_124 = arith.constant 1 : i32
    %sub3A_125 = arith.subi %div3A, %sub3A_124 : i32
    %select_n3A = arith.select %and3A, %sub3A_125, %div3A : i32
    %while3A = arith.constant 0 : i32
    %while3A_126 = arith.constant 0 : i32
    %while3A_127 = arith.subi %select_n3A, %while3A_126 : i32
    %while3A_128 = arith.addi %while3A_126, %while3A_127 : i32
    %while3A_129 = arith.constant 1 : i32
    %while3A_130 = arith.divsi %while3A_127, %while3A_129 : i32
    %while3A_131 = arith.muli %while3A_130, %while3A_129 : i32
    %while3A_132 = arith.addi %while3A_126, %while3A_131 : i32
    %while3A_133 = arith.constant 1 : i32
    scf.for %while3A_140 = %while3A_126 to %while3A_132 step %while3A_133  : i32 {
      %mul3A_141 = arith.constant 16 : i32
      %mul3A_142 = arith.muli %while3A_140, %mul3A_141 : i32
      %add3A_143 = arith.addi %arg1, %mul3A_142 : i32
      %mul3A_144 = arith.constant 160000 : i32
      %mul3A_145 = arith.muli %arg0, %mul3A_144 : i32
      %mul3A_146 = arith.constant 128 : i32
      %mul3A_147 = arith.muli %add3A_143, %mul3A_146 : i32
      %add3A_148 = arith.addi %mul3A_145, %mul3A_147 : i32
      "tpu.region"() ({
        %run_scoped3A_158 = tpu.sem_alloc : memref<!tpu.dma_semaphore, #tpu.memory_space<semaphore_mem>>
        %dma_start3A = arith.constant 0 : i32
        %dma_start3A_159 = tpu.memref_slice %arg2[%add3A_148, %dma_start3A] : memref<320000x32xf32, #tpu.memory_space<hbm>> -> memref<128x32xf32, #tpu.memory_space<hbm>>
        %dma_start3A_160 = arith.constant 0 : i32
        %dma_start3A_161 = tpu.memref_slice %arg2[%add3A_148, %dma_start3A_160] : memref<320000x32xf32, #tpu.memory_space<hbm>> -> memref<128x32xf32, #tpu.memory_space<hbm>>
        tpu.enqueue_dma source(%dma_start3A_161 : memref<128x32xf32, #tpu.memory_space<hbm>>) target(%arg6 : memref<128x32xf32, #tpu.memory_space<vmem>>) target_semaphore(%run_scoped3A_158 : memref<!tpu.dma_semaphore, #tpu.memory_space<semaphore_mem>>)
        %dma_wait3A = arith.constant 0 : i32
        %dma_wait3A_162 = tpu.memref_slice %arg2[%add3A_148, %dma_wait3A] : memref<320000x32xf32, #tpu.memory_space<hbm>> -> memref<128x32xf32, #tpu.memory_space<hbm>>
        %dma_wait3A_163 = arith.constant 0 : i32
        %dma_wait3A_164 = tpu.memref_slice %arg2[%add3A_148, %dma_wait3A_163] : memref<320000x32xf32, #tpu.memory_space<hbm>> -> memref<128x32xf32, #tpu.memory_space<hbm>>
        tpu.wait_dma2 semaphore(%run_scoped3A_158 : memref<!tpu.dma_semaphore, #tpu.memory_space<semaphore_mem>>) src(%dma_wait3A_164 : memref<128x32xf32, #tpu.memory_space<hbm>>) dst(%arg6 : memref<128x32xf32, #tpu.memory_space<vmem>>)
        tpu.yield
      }) : () -> ()
      %mul3A_149 = arith.constant 128 : i32
      %mul3A_150 = arith.muli %add3A_143, %mul3A_149 : i32
      %run_scoped3A = arith.constant 0 : i32
      "tpu.region"() ({
        %run_scoped3A_158 = tpu.sem_alloc : memref<!tpu.dma_semaphore, #tpu.memory_space<semaphore_mem>>
        %dma_start3A = arith.constant 0 : i32
        %dma_start3A_159 = tpu.memref_slice %arg5[%run_scoped3A, %dma_start3A] : memref<1x128xi32, #tpu.memory_space<vmem>> -> memref<1x128xi32, #tpu.memory_space<vmem>>
        %dma_start3A_160 = tpu.memref_squeeze %dma_start3A_159 : memref<1x128xi32, #tpu.memory_space<vmem>> -> memref<128xi32, #tpu.memory_space<vmem>>
        %dma_start3A_161 = tpu.memref_slice %arg3[%mul3A_150] : memref<160000xi32, #tpu.memory_space<hbm>> -> memref<128xi32, #tpu.memory_space<hbm>>
        %dma_start3A_162 = arith.constant 0 : i32
        %dma_start3A_163 = tpu.memref_slice %arg5[%run_scoped3A, %dma_start3A_162] : memref<1x128xi32, #tpu.memory_space<vmem>> -> memref<1x128xi32, #tpu.memory_space<vmem>>
        %dma_start3A_164 = tpu.memref_squeeze %dma_start3A_163 : memref<1x128xi32, #tpu.memory_space<vmem>> -> memref<128xi32, #tpu.memory_space<vmem>>
        %dma_start3A_165 = tpu.memref_slice %arg3[%mul3A_150] : memref<160000xi32, #tpu.memory_space<hbm>> -> memref<128xi32, #tpu.memory_space<hbm>>
        tpu.enqueue_dma source(%dma_start3A_165 : memref<128xi32, #tpu.memory_space<hbm>>) target(%dma_start3A_164 : memref<128xi32, #tpu.memory_space<vmem>>) target_semaphore(%run_scoped3A_158 : memref<!tpu.dma_semaphore, #tpu.memory_space<semaphore_mem>>)
        %dma_wait3A = arith.constant 0 : i32
        %dma_wait3A_166 = tpu.memref_slice %arg5[%run_scoped3A, %dma_wait3A] : memref<1x128xi32, #tpu.memory_space<vmem>> -> memref<1x128xi32, #tpu.memory_space<vmem>>
        %dma_wait3A_167 = tpu.memref_squeeze %dma_wait3A_166 : memref<1x128xi32, #tpu.memory_space<vmem>> -> memref<128xi32, #tpu.memory_space<vmem>>
        %dma_wait3A_168 = tpu.memref_slice %arg3[%mul3A_150] : memref<160000xi32, #tpu.memory_space<hbm>> -> memref<128xi32, #tpu.memory_space<hbm>>
        %dma_wait3A_169 = arith.constant 0 : i32
        %dma_wait3A_170 = tpu.memref_slice %arg5[%run_scoped3A, %dma_wait3A_169] : memref<1x128xi32, #tpu.memory_space<vmem>> -> memref<1x128xi32, #tpu.memory_space<vmem>>
        %dma_wait3A_171 = tpu.memref_squeeze %dma_wait3A_170 : memref<1x128xi32, #tpu.memory_space<vmem>> -> memref<128xi32, #tpu.memory_space<vmem>>
        %dma_wait3A_172 = tpu.memref_slice %arg3[%mul3A_150] : memref<160000xi32, #tpu.memory_space<hbm>> -> memref<128xi32, #tpu.memory_space<hbm>>
        tpu.wait_dma2 semaphore(%run_scoped3A_158 : memref<!tpu.dma_semaphore, #tpu.memory_space<semaphore_mem>>) src(%dma_wait3A_172 : memref<128xi32, #tpu.memory_space<hbm>>) dst(%dma_wait3A_171 : memref<128xi32, #tpu.memory_space<vmem>>)
        tpu.yield
      }) : () -> ()
      %scan3A_151 = arith.constant 0 : i32
      %scan3A_152 = arith.constant 0 : i32
      %scan3A_153 = arith.constant 128 : i32
      %scan3A_154 = arith.addi %scan3A_152, %scan3A_153 : i32
      %scan3A_155 = arith.constant 1 : i32
      scf.for %scan3A_158 = %scan3A_152 to %scan3A_154 step %scan3A_155  : i32 {
        %get3A = arith.index_cast %scan3A_158 : i32 to index
        %get3A_159 = arith.constant 0 : index
        %get3A_160 = tpu.vector_load %arg6[%get3A, %get3A_159] {strides = array<i32>} : memref<128x32xf32, #tpu.memory_space<vmem>>, vector<1x16xf32>,
        %get3A_161 = vector.shape_cast %get3A_160 : vector<1x16xf32> to vector<16xf32>
        %get3A_162 = arith.index_cast %scan3A_158 : i32 to index
        %get3A_163 = arith.constant 16 : index
        %get3A_164 = tpu.vector_load %arg6[%get3A_162, %get3A_163] {strides = array<i32>} : memref<128x32xf32, #tpu.memory_space<vmem>>, vector<1x16xf32>,
        %get3A_165 = vector.shape_cast %get3A_164 : vector<1x16xf32> to vector<16xf32>
        %slice3A = vector.extract_strided_slice %get3A_165 {offsets = [0], sizes = [1], strides = [1]} : vector<16xf32> to vector<1xf32>
        %squeeze3A = vector.extract %slice3A[0] : f32 from vector<1xf32>
        %mul3A_166 = vector.broadcast %squeeze3A : f32 to vector<16xf32>
        %mul3A_167 = arith.mulf %get3A_161, %mul3A_166 : vector<16xf32>
        %swap3A = arith.index_cast %scan3A_158 : i32 to index
        %swap3A_168 = arith.constant 0 : index
        %swap3A_169 = tpu.vector_load %arg7[%swap3A, %swap3A_168] {strides = array<i32>} : memref<128x160xf32, #tpu.memory_space<vmem>>, vector<1x16xf32>,
        %swap3A_170 = vector.shape_cast %swap3A_169 : vector<1x16xf32> to vector<16xf32>
        %swap3A_171 = vector.shape_cast %mul3A_167 : vector<16xf32> to vector<1x16xf32>
        tpu.vector_store %arg7[%swap3A, %swap3A_168], %swap3A_171 {strides = array<i32>} : memref<128x160xf32, #tpu.memory_space<vmem>>, vector<1x16xf32>,
        %slice3A_172 = vector.extract_strided_slice %get3A_165 {offsets = [1], sizes = [1], strides = [1]} : vector<16xf32> to vector<1xf32>
        %squeeze3A_173 = vector.extract %slice3A_172[0] : f32 from vector<1xf32>
        %mul3A_174 = vector.broadcast %squeeze3A_173 : f32 to vector<16xf32>
        %mul3A_175 = arith.mulf %get3A_161, %mul3A_174 : vector<16xf32>
        %swap3A_176 = arith.index_cast %scan3A_158 : i32 to index
        %swap3A_177 = arith.constant 16 : index
        %swap3A_178 = tpu.vector_load %arg7[%swap3A_176, %swap3A_177] {strides = array<i32>} : memref<128x160xf32, #tpu.memory_space<vmem>>, vector<1x16xf32>,
        %swap3A_179 = vector.shape_cast %swap3A_178 : vector<1x16xf32> to vector<16xf32>
        %swap3A_180 = vector.shape_cast %mul3A_175 : vector<16xf32> to vector<1x16xf32>
        tpu.vector_store %arg7[%swap3A_176, %swap3A_177], %swap3A_180 {strides = array<i32>} : memref<128x160xf32, #tpu.memory_space<vmem>>, vector<1x16xf32>,
        %slice3A_181 = vector.extract_strided_slice %get3A_165 {offsets = [2], sizes = [1], strides = [1]} : vector<16xf32> to vector<1xf32>
        %squeeze3A_182 = vector.extract %slice3A_181[0] : f32 from vector<1xf32>
        %mul3A_183 = vector.broadcast %squeeze3A_182 : f32 to vector<16xf32>
        %mul3A_184 = arith.mulf %get3A_161, %mul3A_183 : vector<16xf32>
        %swap3A_185 = arith.index_cast %scan3A_158 : i32 to index
        %swap3A_186 = arith.constant 32 : index
        %swap3A_187 = tpu.vector_load %arg7[%swap3A_185, %swap3A_186] {strides = array<i32>} : memref<128x160xf32, #tpu.memory_space<vmem>>, vector<1x16xf32>,
        %swap3A_188 = vector.shape_cast %swap3A_187 : vector<1x16xf32> to vector<16xf32>
        %swap3A_189 = vector.shape_cast %mul3A_184 : vector<16xf32> to vector<1x16xf32>
        tpu.vector_store %arg7[%swap3A_185, %swap3A_186], %swap3A_189 {strides = array<i32>} : memref<128x160xf32, #tpu.memory_space<vmem>>, vector<1x16xf32>,
        %slice3A_190 = vector.extract_strided_slice %get3A_165 {offsets = [3], sizes = [1], strides = [1]} : vector<16xf32> to vector<1xf32>
        %squeeze3A_191 = vector.extract %slice3A_190[0] : f32 from vector<1xf32>
        %mul3A_192 = vector.broadcast %squeeze3A_191 : f32 to vector<16xf32>
        %mul3A_193 = arith.mulf %get3A_161, %mul3A_192 : vector<16xf32>
        %swap3A_194 = arith.index_cast %scan3A_158 : i32 to index
        %swap3A_195 = arith.constant 48 : index
        %swap3A_196 = tpu.vector_load %arg7[%swap3A_194, %swap3A_195] {strides = array<i32>} : memref<128x160xf32, #tpu.memory_space<vmem>>, vector<1x16xf32>,
        %swap3A_197 = vector.shape_cast %swap3A_196 : vector<1x16xf32> to vector<16xf32>
        %swap3A_198 = vector.shape_cast %mul3A_193 : vector<16xf32> to vector<1x16xf32>
        tpu.vector_store %arg7[%swap3A_194, %swap3A_195], %swap3A_198 {strides = array<i32>} : memref<128x160xf32, #tpu.memory_space<vmem>>, vector<1x16xf32>,
        %slice3A_199 = vector.extract_strided_slice %get3A_165 {offsets = [4], sizes = [1], strides = [1]} : vector<16xf32> to vector<1xf32>
        %squeeze3A_200 = vector.extract %slice3A_199[0] : f32 from vector<1xf32>
        %mul3A_201 = vector.broadcast %squeeze3A_200 : f32 to vector<16xf32>
        %mul3A_202 = arith.mulf %get3A_161, %mul3A_201 : vector<16xf32>
        %swap3A_203 = arith.index_cast %scan3A_158 : i32 to index
        %swap3A_204 = arith.constant 64 : index
        %swap3A_205 = tpu.vector_load %arg7[%swap3A_203, %swap3A_204] {strides = array<i32>} : memref<128x160xf32, #tpu.memory_space<vmem>>, vector<1x16xf32>,
        %swap3A_206 = vector.shape_cast %swap3A_205 : vector<1x16xf32> to vector<16xf32>
        %swap3A_207 = vector.shape_cast %mul3A_202 : vector<16xf32> to vector<1x16xf32>
        tpu.vector_store %arg7[%swap3A_203, %swap3A_204], %swap3A_207 {strides = array<i32>} : memref<128x160xf32, #tpu.memory_space<vmem>>, vector<1x16xf32>,
        %slice3A_208 = vector.extract_strided_slice %get3A_165 {offsets = [5], sizes = [1], strides = [1]} : vector<16xf32> to vector<1xf32>
        %squeeze3A_209 = vector.extract %slice3A_208[0] : f32 from vector<1xf32>
        %mul3A_210 = vector.broadcast %squeeze3A_209 : f32 to vector<16xf32>
        %mul3A_211 = arith.mulf %get3A_161, %mul3A_210 : vector<16xf32>
        %swap3A_212 = arith.index_cast %scan3A_158 : i32 to index
        %swap3A_213 = arith.constant 80 : index
        %swap3A_214 = tpu.vector_load %arg7[%swap3A_212, %swap3A_213] {strides = array<i32>} : memref<128x160xf32, #tpu.memory_space<vmem>>, vector<1x16xf32>,
        %swap3A_215 = vector.shape_cast %swap3A_214 : vector<1x16xf32> to vector<16xf32>
        %swap3A_216 = vector.shape_cast %mul3A_211 : vector<16xf32> to vector<1x16xf32>
        tpu.vector_store %arg7[%swap3A_212, %swap3A_213], %swap3A_216 {strides = array<i32>} : memref<128x160xf32, #tpu.memory_space<vmem>>, vector<1x16xf32>,
        %slice3A_217 = vector.extract_strided_slice %get3A_165 {offsets = [6], sizes = [1], strides = [1]} : vector<16xf32> to vector<1xf32>
        %squeeze3A_218 = vector.extract %slice3A_217[0] : f32 from vector<1xf32>
        %mul3A_219 = vector.broadcast %squeeze3A_218 : f32 to vector<16xf32>
        %mul3A_220 = arith.mulf %get3A_161, %mul3A_219 : vector<16xf32>
        %swap3A_221 = arith.index_cast %scan3A_158 : i32 to index
        %swap3A_222 = arith.constant 96 : index
        %swap3A_223 = tpu.vector_load %arg7[%swap3A_221, %swap3A_222] {strides = array<i32>} : memref<128x160xf32, #tpu.memory_space<vmem>>, vector<1x16xf32>,
        %swap3A_224 = vector.shape_cast %swap3A_223 : vector<1x16xf32> to vector<16xf32>
        %swap3A_225 = vector.shape_cast %mul3A_220 : vector<16xf32> to vector<1x16xf32>
        tpu.vector_store %arg7[%swap3A_221, %swap3A_222], %swap3A_225 {strides = array<i32>} : memref<128x160xf32, #tpu.memory_space<vmem>>, vector<1x16xf32>,
        %slice3A_226 = vector.extract_strided_slice %get3A_165 {offsets = [7], sizes = [1], strides = [1]} : vector<16xf32> to vector<1xf32>
        %squeeze3A_227 = vector.extract %slice3A_226[0] : f32 from vector<1xf32>
        %mul3A_228 = vector.broadcast %squeeze3A_227 : f32 to vector<16xf32>
        %mul3A_229 = arith.mulf %get3A_161, %mul3A_228 : vector<16xf32>
        %swap3A_230 = arith.index_cast %scan3A_158 : i32 to index
        %swap3A_231 = arith.constant 112 : index
        %swap3A_232 = tpu.vector_load %arg7[%swap3A_230, %swap3A_231] {strides = array<i32>} : memref<128x160xf32, #tpu.memory_space<vmem>>, vector<1x16xf32>,
        %swap3A_233 = vector.shape_cast %swap3A_232 : vector<1x16xf32> to vector<16xf32>
        %swap3A_234 = vector.shape_cast %mul3A_229 : vector<16xf32> to vector<1x16xf32>
        tpu.vector_store %arg7[%swap3A_230, %swap3A_231], %swap3A_234 {strides = array<i32>} : memref<128x160xf32, #tpu.memory_space<vmem>>, vector<1x16xf32>,
        %slice3A_235 = vector.extract_strided_slice %get3A_165 {offsets = [8], sizes = [1], strides = [1]} : vector<16xf32> to vector<1xf32>
        %squeeze3A_236 = vector.extract %slice3A_235[0] : f32 from vector<1xf32>
        %mul3A_237 = vector.broadcast %squeeze3A_236 : f32 to vector<16xf32>
        %mul3A_238 = arith.mulf %get3A_161, %mul3A_237 : vector<16xf32>
        %swap3A_239 = arith.index_cast %scan3A_158 : i32 to index
        %swap3A_240 = arith.constant 128 : index
        %swap3A_241 = tpu.vector_load %arg7[%swap3A_239, %swap3A_240] {strides = array<i32>} : memref<128x160xf32, #tpu.memory_space<vmem>>, vector<1x16xf32>,
        %swap3A_242 = vector.shape_cast %swap3A_241 : vector<1x16xf32> to vector<16xf32>
        %swap3A_243 = vector.shape_cast %mul3A_238 : vector<16xf32> to vector<1x16xf32>
        tpu.vector_store %arg7[%swap3A_239, %swap3A_240], %swap3A_243 {strides = array<i32>} : memref<128x160xf32, #tpu.memory_space<vmem>>, vector<1x16xf32>,
        %slice3A_244 = vector.extract_strided_slice %get3A_165 {offsets = [9], sizes = [1], strides = [1]} : vector<16xf32> to vector<1xf32>
        %squeeze3A_245 = vector.extract %slice3A_244[0] : f32 from vector<1xf32>
        %mul3A_246 = vector.broadcast %squeeze3A_245 : f32 to vector<16xf32>
        %mul3A_247 = arith.mulf %get3A_161, %mul3A_246 : vector<16xf32>
        %swap3A_248 = arith.index_cast %scan3A_158 : i32 to index
        %swap3A_249 = arith.constant 144 : index
        %swap3A_250 = tpu.vector_load %arg7[%swap3A_248, %swap3A_249] {strides = array<i32>} : memref<128x160xf32, #tpu.memory_space<vmem>>, vector<1x16xf32>,
        %swap3A_251 = vector.shape_cast %swap3A_250 : vector<1x16xf32> to vector<16xf32>
        %swap3A_252 = vector.shape_cast %mul3A_247 : vector<16xf32> to vector<1x16xf32>
        tpu.vector_store %arg7[%swap3A_248, %swap3A_249], %swap3A_252 {strides = array<i32>} : memref<128x160xf32, #tpu.memory_space<vmem>>, vector<1x16xf32>,
      }
      %scan3A_156 = arith.constant 128 : i32
      %run_scoped3A_157 = arith.constant 0 : i32
      "tpu.region"() ({
        %run_scoped3A_158 = tpu.sem_alloc : memref<!tpu.dma_semaphore, #tpu.memory_space<semaphore_mem>>
        %dma_start3A = arith.constant 0 : i32
        %dma_start3A_159 = tpu.memref_slice %arg5[%run_scoped3A_157, %dma_start3A] : memref<1x128xi32, #tpu.memory_space<vmem>> -> memref<1x128xi32, #tpu.memory_space<vmem>>
        %dma_start3A_160 = tpu.memref_squeeze %dma_start3A_159 : memref<1x128xi32, #tpu.memory_space<vmem>> -> memref<128xi32, #tpu.memory_space<vmem>>
        %dma_start3A_161 = arith.constant 0 : i32
        %dma_start3A_162 = arith.constant 0 : i32
        %dma_start3A_163 = tpu.memref_slice %arg9[%dma_start3A_161, %dma_start3A_162] : memref<10000x160xf32, #tpu.memory_space<vmem_shared>> -> memref<10000x160xf32, #tpu.memory_space<vmem_shared>>
        tpu.enqueue_indirect_dma source(%arg7 : memref<128x160xf32, #tpu.memory_space<vmem>>) target(%dma_start3A_163 : memref<10000x160xf32, #tpu.memory_space<vmem_shared>>) offsets(%dma_start3A_160 : memref<128xi32, #tpu.memory_space<vmem>>) semaphore(%run_scoped3A_158 : memref<!tpu.dma_semaphore, #tpu.memory_space<semaphore_mem>>) {add = true}
        %dma_wait3A = arith.constant 0 : i32
        %dma_wait3A_164 = tpu.memref_slice %arg5[%run_scoped3A_157, %dma_wait3A] : memref<1x128xi32, #tpu.memory_space<vmem>> -> memref<1x128xi32, #tpu.memory_space<vmem>>
        %dma_wait3A_165 = tpu.memref_squeeze %dma_wait3A_164 : memref<1x128xi32, #tpu.memory_space<vmem>> -> memref<128xi32, #tpu.memory_space<vmem>>
        %dma_wait3A_166 = arith.constant 0 : i32
        %dma_wait3A_167 = arith.constant 0 : i32
        %dma_wait3A_168 = tpu.memref_slice %arg9[%dma_wait3A_166, %dma_wait3A_167] : memref<10000x160xf32, #tpu.memory_space<vmem_shared>> -> memref<10000x160xf32, #tpu.memory_space<vmem_shared>>
        tpu.wait_indirect_dma semaphore(%run_scoped3A_158 : memref<!tpu.dma_semaphore, #tpu.memory_space<semaphore_mem>>) src(%arg7 : memref<128x160xf32, #tpu.memory_space<vmem>>) dst(%dma_wait3A_168 : memref<10000x160xf32, #tpu.memory_space<vmem_shared>>)
        tpu.yield
      }) : () -> ()
    }
    %while3A_134 = arith.constant 1 : i32
    scf.for %while3A_140 = %while3A_132 to %while3A_128 step %while3A_134  : i32 {
      %mul3A_141 = arith.constant 16 : i32
      %mul3A_142 = arith.muli %while3A_140, %mul3A_141 : i32
      %add3A_143 = arith.addi %arg1, %mul3A_142 : i32
      %mul3A_144 = arith.constant 160000 : i32
      %mul3A_145 = arith.muli %arg0, %mul3A_144 : i32
      %mul3A_146 = arith.constant 128 : i32
      %mul3A_147 = arith.muli %add3A_143, %mul3A_146 : i32
      %add3A_148 = arith.addi %mul3A_145, %mul3A_147 : i32
      "tpu.region"() ({
        %run_scoped3A_158 = tpu.sem_alloc : memref<!tpu.dma_semaphore, #tpu.memory_space<semaphore_mem>>
        %dma_start3A = arith.constant 0 : i32
        %dma_start3A_159 = tpu.memref_slice %arg2[%add3A_148, %dma_start3A] : memref<320000x32xf32, #tpu.memory_space<hbm>> -> memref<128x32xf32, #tpu.memory_space<hbm>>
        %dma_start3A_160 = arith.constant 0 : i32
        %dma_start3A_161 = tpu.memref_slice %arg2[%add3A_148, %dma_start3A_160] : memref<320000x32xf32, #tpu.memory_space<hbm>> -> memref<128x32xf32, #tpu.memory_space<hbm>>
        tpu.enqueue_dma source(%dma_start3A_161 : memref<128x32xf32, #tpu.memory_space<hbm>>) target(%arg6 : memref<128x32xf32, #tpu.memory_space<vmem>>) target_semaphore(%run_scoped3A_158 : memref<!tpu.dma_semaphore, #tpu.memory_space<semaphore_mem>>)
        %dma_wait3A = arith.constant 0 : i32
        %dma_wait3A_162 = tpu.memref_slice %arg2[%add3A_148, %dma_wait3A] : memref<320000x32xf32, #tpu.memory_space<hbm>> -> memref<128x32xf32, #tpu.memory_space<hbm>>
        %dma_wait3A_163 = arith.constant 0 : i32
        %dma_wait3A_164 = tpu.memref_slice %arg2[%add3A_148, %dma_wait3A_163] : memref<320000x32xf32, #tpu.memory_space<hbm>> -> memref<128x32xf32, #tpu.memory_space<hbm>>
        tpu.wait_dma2 semaphore(%run_scoped3A_158 : memref<!tpu.dma_semaphore, #tpu.memory_space<semaphore_mem>>) src(%dma_wait3A_164 : memref<128x32xf32, #tpu.memory_space<hbm>>) dst(%arg6 : memref<128x32xf32, #tpu.memory_space<vmem>>)
        tpu.yield
      }) : () -> ()
      %mul3A_149 = arith.constant 128 : i32
      %mul3A_150 = arith.muli %add3A_143, %mul3A_149 : i32
      %run_scoped3A = arith.constant 0 : i32
      "tpu.region"() ({
        %run_scoped3A_158 = tpu.sem_alloc : memref<!tpu.dma_semaphore, #tpu.memory_space<semaphore_mem>>
        %dma_start3A = arith.constant 0 : i32
        %dma_start3A_159 = tpu.memref_slice %arg5[%run_scoped3A, %dma_start3A] : memref<1x128xi32, #tpu.memory_space<vmem>> -> memref<1x128xi32, #tpu.memory_space<vmem>>
        %dma_start3A_160 = tpu.memref_squeeze %dma_start3A_159 : memref<1x128xi32, #tpu.memory_space<vmem>> -> memref<128xi32, #tpu.memory_space<vmem>>
        %dma_start3A_161 = tpu.memref_slice %arg3[%mul3A_150] : memref<160000xi32, #tpu.memory_space<hbm>> -> memref<128xi32, #tpu.memory_space<hbm>>
        %dma_start3A_162 = arith.constant 0 : i32
        %dma_start3A_163 = tpu.memref_slice %arg5[%run_scoped3A, %dma_start3A_162] : memref<1x128xi32, #tpu.memory_space<vmem>> -> memref<1x128xi32, #tpu.memory_space<vmem>>
        %dma_start3A_164 = tpu.memref_squeeze %dma_start3A_163 : memref<1x128xi32, #tpu.memory_space<vmem>> -> memref<128xi32, #tpu.memory_space<vmem>>
        %dma_start3A_165 = tpu.memref_slice %arg3[%mul3A_150] : memref<160000xi32, #tpu.memory_space<hbm>> -> memref<128xi32, #tpu.memory_space<hbm>>
        tpu.enqueue_dma source(%dma_start3A_165 : memref<128xi32, #tpu.memory_space<hbm>>) target(%dma_start3A_164 : memref<128xi32, #tpu.memory_space<vmem>>) target_semaphore(%run_scoped3A_158 : memref<!tpu.dma_semaphore, #tpu.memory_space<semaphore_mem>>)
        %dma_wait3A = arith.constant 0 : i32
        %dma_wait3A_166 = tpu.memref_slice %arg5[%run_scoped3A, %dma_wait3A] : memref<1x128xi32, #tpu.memory_space<vmem>> -> memref<1x128xi32, #tpu.memory_space<vmem>>
        %dma_wait3A_167 = tpu.memref_squeeze %dma_wait3A_166 : memref<1x128xi32, #tpu.memory_space<vmem>> -> memref<128xi32, #tpu.memory_space<vmem>>
        %dma_wait3A_168 = tpu.memref_slice %arg3[%mul3A_150] : memref<160000xi32, #tpu.memory_space<hbm>> -> memref<128xi32, #tpu.memory_space<hbm>>
        %dma_wait3A_169 = arith.constant 0 : i32
        %dma_wait3A_170 = tpu.memref_slice %arg5[%run_scoped3A, %dma_wait3A_169] : memref<1x128xi32, #tpu.memory_space<vmem>> -> memref<1x128xi32, #tpu.memory_space<vmem>>
        %dma_wait3A_171 = tpu.memref_squeeze %dma_wait3A_170 : memref<1x128xi32, #tpu.memory_space<vmem>> -> memref<128xi32, #tpu.memory_space<vmem>>
        %dma_wait3A_172 = tpu.memref_slice %arg3[%mul3A_150] : memref<160000xi32, #tpu.memory_space<hbm>> -> memref<128xi32, #tpu.memory_space<hbm>>
        tpu.wait_dma2 semaphore(%run_scoped3A_158 : memref<!tpu.dma_semaphore, #tpu.memory_space<semaphore_mem>>) src(%dma_wait3A_172 : memref<128xi32, #tpu.memory_space<hbm>>) dst(%dma_wait3A_171 : memref<128xi32, #tpu.memory_space<vmem>>)
        tpu.yield
      }) : () -> ()
      %scan3A_151 = arith.constant 0 : i32
      %scan3A_152 = arith.constant 0 : i32
      %scan3A_153 = arith.constant 128 : i32
      %scan3A_154 = arith.addi %scan3A_152, %scan3A_153 : i32
      %scan3A_155 = arith.constant 1 : i32
      scf.for %scan3A_158 = %scan3A_152 to %scan3A_154 step %scan3A_155  : i32 {
        %get3A = arith.index_cast %scan3A_158 : i32 to index
        %get3A_159 = arith.constant 0 : index
        %get3A_160 = tpu.vector_load %arg6[%get3A, %get3A_159] {strides = array<i32>} : memref<128x32xf32, #tpu.memory_space<vmem>>, vector<1x16xf32>,
        %get3A_161 = vector.shape_cast %get3A_160 : vector<1x16xf32> to vector<16xf32>
        %get3A_162 = arith.index_cast %scan3A_158 : i32 to index
        %get3A_163 = arith.constant 16 : index
        %get3A_164 = tpu.vector_load %arg6[%get3A_162, %get3A_163] {strides = array<i32>} : memref<128x32xf32, #tpu.memory_space<vmem>>, vector<1x16xf32>,
        %get3A_165 = vector.shape_cast %get3A_164 : vector<1x16xf32> to vector<16xf32>
        %slice3A = vector.extract_strided_slice %get3A_165 {offsets = [0], sizes = [1], strides = [1]} : vector<16xf32> to vector<1xf32>
        %squeeze3A = vector.extract %slice3A[0] : f32 from vector<1xf32>
        %mul3A_166 = vector.broadcast %squeeze3A : f32 to vector<16xf32>
        %mul3A_167 = arith.mulf %get3A_161, %mul3A_166 : vector<16xf32>
        %swap3A = arith.index_cast %scan3A_158 : i32 to index
        %swap3A_168 = arith.constant 0 : index
        %swap3A_169 = tpu.vector_load %arg7[%swap3A, %swap3A_168] {strides = array<i32>} : memref<128x160xf32, #tpu.memory_space<vmem>>, vector<1x16xf32>,
        %swap3A_170 = vector.shape_cast %swap3A_169 : vector<1x16xf32> to vector<16xf32>
        %swap3A_171 = vector.shape_cast %mul3A_167 : vector<16xf32> to vector<1x16xf32>
        tpu.vector_store %arg7[%swap3A, %swap3A_168], %swap3A_171 {strides = array<i32>} : memref<128x160xf32, #tpu.memory_space<vmem>>, vector<1x16xf32>,
        %slice3A_172 = vector.extract_strided_slice %get3A_165 {offsets = [1], sizes = [1], strides = [1]} : vector<16xf32> to vector<1xf32>
        %squeeze3A_173 = vector.extract %slice3A_172[0] : f32 from vector<1xf32>
        %mul3A_174 = vector.broadcast %squeeze3A_173 : f32 to vector<16xf32>
        %mul3A_175 = arith.mulf %get3A_161, %mul3A_174 : vector<16xf32>
        %swap3A_176 = arith.index_cast %scan3A_158 : i32 to index
        %swap3A_177 = arith.constant 16 : index
        %swap3A_178 = tpu.vector_load %arg7[%swap3A_176, %swap3A_177] {strides = array<i32>} : memref<128x160xf32, #tpu.memory_space<vmem>>, vector<1x16xf32>,
        %swap3A_179 = vector.shape_cast %swap3A_178 : vector<1x16xf32> to vector<16xf32>
        %swap3A_180 = vector.shape_cast %mul3A_175 : vector<16xf32> to vector<1x16xf32>
        tpu.vector_store %arg7[%swap3A_176, %swap3A_177], %swap3A_180 {strides = array<i32>} : memref<128x160xf32, #tpu.memory_space<vmem>>, vector<1x16xf32>,
        %slice3A_181 = vector.extract_strided_slice %get3A_165 {offsets = [2], sizes = [1], strides = [1]} : vector<16xf32> to vector<1xf32>
        %squeeze3A_182 = vector.extract %slice3A_181[0] : f32 from vector<1xf32>
        %mul3A_183 = vector.broadcast %squeeze3A_182 : f32 to vector<16xf32>
        %mul3A_184 = arith.mulf %get3A_161, %mul3A_183 : vector<16xf32>
        %swap3A_185 = arith.index_cast %scan3A_158 : i32 to index
        %swap3A_186 = arith.constant 32 : index
        %swap3A_187 = tpu.vector_load %arg7[%swap3A_185, %swap3A_186] {strides = array<i32>} : memref<128x160xf32, #tpu.memory_space<vmem>>, vector<1x16xf32>,
        %swap3A_188 = vector.shape_cast %swap3A_187 : vector<1x16xf32> to vector<16xf32>
        %swap3A_189 = vector.shape_cast %mul3A_184 : vector<16xf32> to vector<1x16xf32>
        tpu.vector_store %arg7[%swap3A_185, %swap3A_186], %swap3A_189 {strides = array<i32>} : memref<128x160xf32, #tpu.memory_space<vmem>>, vector<1x16xf32>,
        %slice3A_190 = vector.extract_strided_slice %get3A_165 {offsets = [3], sizes = [1], strides = [1]} : vector<16xf32> to vector<1xf32>
        %squeeze3A_191 = vector.extract %slice3A_190[0] : f32 from vector<1xf32>
        %mul3A_192 = vector.broadcast %squeeze3A_191 : f32 to vector<16xf32>
        %mul3A_193 = arith.mulf %get3A_161, %mul3A_192 : vector<16xf32>
        %swap3A_194 = arith.index_cast %scan3A_158 : i32 to index
        %swap3A_195 = arith.constant 48 : index
        %swap3A_196 = tpu.vector_load %arg7[%swap3A_194, %swap3A_195] {strides = array<i32>} : memref<128x160xf32, #tpu.memory_space<vmem>>, vector<1x16xf32>,
        %swap3A_197 = vector.shape_cast %swap3A_196 : vector<1x16xf32> to vector<16xf32>
        %swap3A_198 = vector.shape_cast %mul3A_193 : vector<16xf32> to vector<1x16xf32>
        tpu.vector_store %arg7[%swap3A_194, %swap3A_195], %swap3A_198 {strides = array<i32>} : memref<128x160xf32, #tpu.memory_space<vmem>>, vector<1x16xf32>,
        %slice3A_199 = vector.extract_strided_slice %get3A_165 {offsets = [4], sizes = [1], strides = [1]} : vector<16xf32> to vector<1xf32>
        %squeeze3A_200 = vector.extract %slice3A_199[0] : f32 from vector<1xf32>
        %mul3A_201 = vector.broadcast %squeeze3A_200 : f32 to vector<16xf32>
        %mul3A_202 = arith.mulf %get3A_161, %mul3A_201 : vector<16xf32>
        %swap3A_203 = arith.index_cast %scan3A_158 : i32 to index
        %swap3A_204 = arith.constant 64 : index
        %swap3A_205 = tpu.vector_load %arg7[%swap3A_203, %swap3A_204] {strides = array<i32>} : memref<128x160xf32, #tpu.memory_space<vmem>>, vector<1x16xf32>,
        %swap3A_206 = vector.shape_cast %swap3A_205 : vector<1x16xf32> to vector<16xf32>
        %swap3A_207 = vector.shape_cast %mul3A_202 : vector<16xf32> to vector<1x16xf32>
        tpu.vector_store %arg7[%swap3A_203, %swap3A_204], %swap3A_207 {strides = array<i32>} : memref<128x160xf32, #tpu.memory_space<vmem>>, vector<1x16xf32>,
        %slice3A_208 = vector.extract_strided_slice %get3A_165 {offsets = [5], sizes = [1], strides = [1]} : vector<16xf32> to vector<1xf32>
        %squeeze3A_209 = vector.extract %slice3A_208[0] : f32 from vector<1xf32>
        %mul3A_210 = vector.broadcast %squeeze3A_209 : f32 to vector<16xf32>
        %mul3A_211 = arith.mulf %get3A_161, %mul3A_210 : vector<16xf32>
        %swap3A_212 = arith.index_cast %scan3A_158 : i32 to index
        %swap3A_213 = arith.constant 80 : index
        %swap3A_214 = tpu.vector_load %arg7[%swap3A_212, %swap3A_213] {strides = array<i32>} : memref<128x160xf32, #tpu.memory_space<vmem>>, vector<1x16xf32>,
        %swap3A_215 = vector.shape_cast %swap3A_214 : vector<1x16xf32> to vector<16xf32>
        %swap3A_216 = vector.shape_cast %mul3A_211 : vector<16xf32> to vector<1x16xf32>
        tpu.vector_store %arg7[%swap3A_212, %swap3A_213], %swap3A_216 {strides = array<i32>} : memref<128x160xf32, #tpu.memory_space<vmem>>, vector<1x16xf32>,
        %slice3A_217 = vector.extract_strided_slice %get3A_165 {offsets = [6], sizes = [1], strides = [1]} : vector<16xf32> to vector<1xf32>
        %squeeze3A_218 = vector.extract %slice3A_217[0] : f32 from vector<1xf32>
        %mul3A_219 = vector.broadcast %squeeze3A_218 : f32 to vector<16xf32>
        %mul3A_220 = arith.mulf %get3A_161, %mul3A_219 : vector<16xf32>
        %swap3A_221 = arith.index_cast %scan3A_158 : i32 to index
        %swap3A_222 = arith.constant 96 : index
        %swap3A_223 = tpu.vector_load %arg7[%swap3A_221, %swap3A_222] {strides = array<i32>} : memref<128x160xf32, #tpu.memory_space<vmem>>, vector<1x16xf32>,
        %swap3A_224 = vector.shape_cast %swap3A_223 : vector<1x16xf32> to vector<16xf32>
        %swap3A_225 = vector.shape_cast %mul3A_220 : vector<16xf32> to vector<1x16xf32>
        tpu.vector_store %arg7[%swap3A_221, %swap3A_222], %swap3A_225 {strides = array<i32>} : memref<128x160xf32, #tpu.memory_space<vmem>>, vector<1x16xf32>,
        %slice3A_226 = vector.extract_strided_slice %get3A_165 {offsets = [7], sizes = [1], strides = [1]} : vector<16xf32> to vector<1xf32>
        %squeeze3A_227 = vector.extract %slice3A_226[0] : f32 from vector<1xf32>
        %mul3A_228 = vector.broadcast %squeeze3A_227 : f32 to vector<16xf32>
        %mul3A_229 = arith.mulf %get3A_161, %mul3A_228 : vector<16xf32>
        %swap3A_230 = arith.index_cast %scan3A_158 : i32 to index
        %swap3A_231 = arith.constant 112 : index
        %swap3A_232 = tpu.vector_load %arg7[%swap3A_230, %swap3A_231] {strides = array<i32>} : memref<128x160xf32, #tpu.memory_space<vmem>>, vector<1x16xf32>,
        %swap3A_233 = vector.shape_cast %swap3A_232 : vector<1x16xf32> to vector<16xf32>
        %swap3A_234 = vector.shape_cast %mul3A_229 : vector<16xf32> to vector<1x16xf32>
        tpu.vector_store %arg7[%swap3A_230, %swap3A_231], %swap3A_234 {strides = array<i32>} : memref<128x160xf32, #tpu.memory_space<vmem>>, vector<1x16xf32>,
        %slice3A_235 = vector.extract_strided_slice %get3A_165 {offsets = [8], sizes = [1], strides = [1]} : vector<16xf32> to vector<1xf32>
        %squeeze3A_236 = vector.extract %slice3A_235[0] : f32 from vector<1xf32>
        %mul3A_237 = vector.broadcast %squeeze3A_236 : f32 to vector<16xf32>
        %mul3A_238 = arith.mulf %get3A_161, %mul3A_237 : vector<16xf32>
        %swap3A_239 = arith.index_cast %scan3A_158 : i32 to index
        %swap3A_240 = arith.constant 128 : index
        %swap3A_241 = tpu.vector_load %arg7[%swap3A_239, %swap3A_240] {strides = array<i32>} : memref<128x160xf32, #tpu.memory_space<vmem>>, vector<1x16xf32>,
        %swap3A_242 = vector.shape_cast %swap3A_241 : vector<1x16xf32> to vector<16xf32>
        %swap3A_243 = vector.shape_cast %mul3A_238 : vector<16xf32> to vector<1x16xf32>
        tpu.vector_store %arg7[%swap3A_239, %swap3A_240], %swap3A_243 {strides = array<i32>} : memref<128x160xf32, #tpu.memory_space<vmem>>, vector<1x16xf32>,
        %slice3A_244 = vector.extract_strided_slice %get3A_165 {offsets = [9], sizes = [1], strides = [1]} : vector<16xf32> to vector<1xf32>
        %squeeze3A_245 = vector.extract %slice3A_244[0] : f32 from vector<1xf32>
        %mul3A_246 = vector.broadcast %squeeze3A_245 : f32 to vector<16xf32>
        %mul3A_247 = arith.mulf %get3A_161, %mul3A_246 : vector<16xf32>
        %swap3A_248 = arith.index_cast %scan3A_158 : i32 to index
        %swap3A_249 = arith.constant 144 : index
        %swap3A_250 = tpu.vector_load %arg7[%swap3A_248, %swap3A_249] {strides = array<i32>} : memref<128x160xf32, #tpu.memory_space<vmem>>, vector<1x16xf32>,
        %swap3A_251 = vector.shape_cast %swap3A_250 : vector<1x16xf32> to vector<16xf32>
        %swap3A_252 = vector.shape_cast %mul3A_247 : vector<16xf32> to vector<1x16xf32>
        tpu.vector_store %arg7[%swap3A_248, %swap3A_249], %swap3A_252 {strides = array<i32>} : memref<128x160xf32, #tpu.memory_space<vmem>>, vector<1x16xf32>,
      }
      %scan3A_156 = arith.constant 128 : i32
      %run_scoped3A_157 = arith.constant 0 : i32
      "tpu.region"() ({
        %run_scoped3A_158 = tpu.sem_alloc : memref<!tpu.dma_semaphore, #tpu.memory_space<semaphore_mem>>
        %dma_start3A = arith.constant 0 : i32
        %dma_start3A_159 = tpu.memref_slice %arg5[%run_scoped3A_157, %dma_start3A] : memref<1x128xi32, #tpu.memory_space<vmem>> -> memref<1x128xi32, #tpu.memory_space<vmem>>
        %dma_start3A_160 = tpu.memref_squeeze %dma_start3A_159 : memref<1x128xi32, #tpu.memory_space<vmem>> -> memref<128xi32, #tpu.memory_space<vmem>>
        %dma_start3A_161 = arith.constant 0 : i32
        %dma_start3A_162 = arith.constant 0 : i32
        %dma_start3A_163 = tpu.memref_slice %arg9[%dma_start3A_161, %dma_start3A_162] : memref<10000x160xf32, #tpu.memory_space<vmem_shared>> -> memref<10000x160xf32, #tpu.memory_space<vmem_shared>>
        tpu.enqueue_indirect_dma source(%arg7 : memref<128x160xf32, #tpu.memory_space<vmem>>) target(%dma_start3A_163 : memref<10000x160xf32, #tpu.memory_space<vmem_shared>>) offsets(%dma_start3A_160 : memref<128xi32, #tpu.memory_space<vmem>>) semaphore(%run_scoped3A_158 : memref<!tpu.dma_semaphore, #tpu.memory_space<semaphore_mem>>) {add = true}
        %dma_wait3A = arith.constant 0 : i32
        %dma_wait3A_164 = tpu.memref_slice %arg5[%run_scoped3A_157, %dma_wait3A] : memref<1x128xi32, #tpu.memory_space<vmem>> -> memref<1x128xi32, #tpu.memory_space<vmem>>
        %dma_wait3A_165 = tpu.memref_squeeze %dma_wait3A_164 : memref<1x128xi32, #tpu.memory_space<vmem>> -> memref<128xi32, #tpu.memory_space<vmem>>
        %dma_wait3A_166 = arith.constant 0 : i32
        %dma_wait3A_167 = arith.constant 0 : i32
        %dma_wait3A_168 = tpu.memref_slice %arg9[%dma_wait3A_166, %dma_wait3A_167] : memref<10000x160xf32, #tpu.memory_space<vmem_shared>> -> memref<10000x160xf32, #tpu.memory_space<vmem_shared>>
        tpu.wait_indirect_dma semaphore(%run_scoped3A_158 : memref<!tpu.dma_semaphore, #tpu.memory_space<semaphore_mem>>) src(%arg7 : memref<128x160xf32, #tpu.memory_space<vmem>>) dst(%dma_wait3A_168 : memref<10000x160xf32, #tpu.memory_space<vmem_shared>>)
        tpu.yield
      }) : () -> ()
    }
    %barrier3A_135 = arith.constant 0 : index
    tpu.barrier barrier_id(%barrier3A_135)
    %mul3A_136 = arith.constant 625 : i32
    %mul3A_137 = arith.muli %arg1, %mul3A_136 : i32
    %mul3A_138 = arith.constant 625 : i32
    %mul3A_139 = arith.muli %arg1, %mul3A_138 : i32
    "tpu.region"() ({
      %run_scoped3A = tpu.sem_alloc : memref<!tpu.dma_semaphore, #tpu.memory_space<semaphore_mem>>
      %dma_start3A = arith.constant 0 : i32
      %dma_start3A_140 = tpu.memref_slice %arg4[%arg0, %mul3A_139, %dma_start3A] : memref<2x10000x160xf32, #tpu.memory_space<hbm>> -> memref<1x625x160xf32, #tpu.memory_space<hbm>>
      %dma_start3A_141 = tpu.memref_squeeze %dma_start3A_140 : memref<1x625x160xf32, #tpu.memory_space<hbm>> -> memref<625x160xf32, #tpu.memory_space<hbm>>
      %dma_start3A_142 = arith.constant 0 : i32
      %dma_start3A_143 = tpu.memref_slice %arg9[%mul3A_137, %dma_start3A_142] : memref<10000x160xf32, #tpu.memory_space<vmem_shared>> -> memref<625x160xf32, #tpu.memory_space<vmem_shared>>
      tpu.enqueue_dma source(%dma_start3A_143 : memref<625x160xf32, #tpu.memory_space<vmem_shared>>) target(%dma_start3A_141 : memref<625x160xf32, #tpu.memory_space<hbm>>) target_semaphore(%run_scoped3A : memref<!tpu.dma_semaphore, #tpu.memory_space<semaphore_mem>>)
      %dma_wait3A = arith.constant 0 : i32
      %dma_wait3A_144 = tpu.memref_slice %arg4[%arg0, %mul3A_139, %dma_wait3A] : memref<2x10000x160xf32, #tpu.memory_space<hbm>> -> memref<1x625x160xf32, #tpu.memory_space<hbm>>
      %dma_wait3A_145 = tpu.memref_squeeze %dma_wait3A_144 : memref<1x625x160xf32, #tpu.memory_space<hbm>> -> memref<625x160xf32, #tpu.memory_space<hbm>>
      %dma_wait3A_146 = arith.constant 0 : i32
      %dma_wait3A_147 = tpu.memref_slice %arg9[%mul3A_137, %dma_wait3A_146] : memref<10000x160xf32, #tpu.memory_space<vmem_shared>> -> memref<625x160xf32, #tpu.memory_space<vmem_shared>>
      tpu.wait_dma2 semaphore(%run_scoped3A : memref<!tpu.dma_semaphore, #tpu.memory_space<semaphore_mem>>) src(%dma_wait3A_147 : memref<625x160xf32, #tpu.memory_space<vmem_shared>>) dst(%dma_wait3A_145 : memref<625x160xf32, #tpu.memory_space<hbm>>)
      tpu.yield
    }) : () -> ()
    return
  }
}

module attributes {stable_mosaic.version = 14 : i64} {
  func.func @_edge_mlp_body(%arg0: i32, %arg1: memref<3200x3xf32, #tpu.memory_space<vmem>>, %arg2: memref<8x16xf32, #tpu.memory_space<vmem>>, %arg3: memref<1x16xf32, #tpu.memory_space<vmem>>, %arg4: memref<16x16xf32, #tpu.memory_space<vmem>>, %arg5: memref<16x32xf32, #tpu.memory_space<vmem>>, %arg6: memref<1x32xf32, #tpu.memory_space<vmem>>, %arg7: memref<32x32xf32, #tpu.memory_space<vmem>>, %arg8: memref<1x32xf32, #tpu.memory_space<vmem>>, %arg9: memref<32x16xf32, #tpu.memory_space<vmem>>, %arg10: memref<1x16xf32, #tpu.memory_space<vmem>>, %arg11: memref<3200x32xf32, #tpu.memory_space<vmem>>) attributes {dimension_semantics = [#tpu.dimension_semantics<arbitrary>], iteration_bounds = array<i64: 100>, scalar_prefetch = 0 : i64, scratch_operands = 0 : i64, tpu.core_type = #tpu.core_type<tc>, window_params = [{transform_indices = @transform_0, window_bounds = array<i64: 3200, 3>}, {pipeline_mode = #tpu.pipeline_mode<synchronous>, transform_indices = @transform_1, window_bounds = array<i64: 8, 16>}, {pipeline_mode = #tpu.pipeline_mode<synchronous>, transform_indices = @transform_2, window_bounds = array<i64: 1, 16>}, {pipeline_mode = #tpu.pipeline_mode<synchronous>, transform_indices = @transform_3, window_bounds = array<i64: 16, 16>}, {pipeline_mode = #tpu.pipeline_mode<synchronous>, transform_indices = @transform_4, window_bounds = array<i64: 16, 32>}, {pipeline_mode = #tpu.pipeline_mode<synchronous>, transform_indices = @transform_5, window_bounds = array<i64: 1, 32>}, {pipeline_mode = #tpu.pipeline_mode<synchronous>, transform_indices = @transform_6, window_bounds = array<i64: 32, 32>}, {pipeline_mode = #tpu.pipeline_mode<synchronous>, transform_indices = @transform_7, window_bounds = array<i64: 1, 32>}, {pipeline_mode = #tpu.pipeline_mode<synchronous>, transform_indices = @transform_8, window_bounds = array<i64: 32, 16>}, {pipeline_mode = #tpu.pipeline_mode<synchronous>, transform_indices = @transform_9, window_bounds = array<i64: 1, 16>}, {transform_indices = @transform_10, window_bounds = array<i64: 3200, 32>}]} {
    %get3A = arith.constant 0 : index
    %get3A_0 = arith.constant 0 : index
    %get3A_1 = vector.load %arg1[%get3A, %get3A_0] : memref<3200x3xf32, #tpu.memory_space<vmem>>, vector<3200x3xf32>
    %mul3A = arith.mulf %get3A_1, %get3A_1 : vector<3200x3xf32>
    %reduce_sum3A = arith.constant dense<0.000000e+00> : vector<3200xf32>
    %reduce_sum3A_2 = vector.multi_reduction <add>, %mul3A, %reduce_sum3A [1] : vector<3200x3xf32> to vector<3200xf32>
    %broadcast_in_dim3A = vector.shape_cast %reduce_sum3A_2 : vector<3200xf32> to vector<3200x1xf32>
    %add3A = arith.constant 9.99999996E-13 : f32
    %add3A_3 = vector.broadcast %add3A : f32 to vector<3200x1xf32>
    %add3A_4 = arith.addf %broadcast_in_dim3A, %add3A_3 : vector<3200x1xf32>
    %sqrt3A = math.sqrt %add3A_4 : vector<3200x1xf32>
    %iota3A = tpu.iota {dimensions = array<i32: 1>} : vector<1x8xi32>
    %convert_element_type3A = arith.sitofp %iota3A : vector<1x8xi32> to vector<1x8xf32>
    %mul3A_5 = arith.constant 0.714285731 : f32
    %mul3A_6 = vector.broadcast %mul3A_5 : f32 to vector<1x8xf32>
    %mul3A_7 = arith.mulf %convert_element_type3A, %mul3A_6 : vector<1x8xf32>
    %sub3A = vector.broadcast %sqrt3A : vector<3200x1xf32> to vector<3200x8xf32>
    %sub3A_8 = vector.broadcast %mul3A_7 : vector<1x8xf32> to vector<3200x8xf32>
    %sub3A_9 = arith.subf %sub3A, %sub3A_8 : vector<3200x8xf32>
    %integer_pow3A = arith.mulf %sub3A_9, %sub3A_9 : vector<3200x8xf32>
    %neg3A = arith.constant 0.000000e+00 : f32
    %neg3A_10 = vector.broadcast %neg3A : f32 to vector<3200x8xf32>
    %neg3A_11 = arith.subf %neg3A_10, %integer_pow3A : vector<3200x8xf32>
    %div3A = arith.constant 7.812500e-01 : f32
    %div3A_12 = vector.broadcast %div3A : f32 to vector<3200x8xf32>
    %div3A_13 = arith.divf %neg3A_11, %div3A_12 : vector<3200x8xf32>
    %exp3A = math.exp %div3A_13 : vector<3200x8xf32>
    %get3A_14 = arith.constant 0 : index
    %get3A_15 = arith.constant 0 : index
    %get3A_16 = vector.load %arg2[%get3A_14, %get3A_15] : memref<8x16xf32, #tpu.memory_space<vmem>>, vector<8x16xf32>
    %dot_general3A = arith.constant dense<0.000000e+00> : vector<3200x16xf32>
    %dot_general3A_17 = tpu.matmul %exp3A, %get3A_16, %dot_general3A {dimension_numbers = #tpu.dot_dimension_numbers<[1], [0], [0], [1], [0, 0, 1, 1], [], []>, transpose_lhs_hint = false} : vector<3200x8xf32>, vector<8x16xf32>, vector<3200x16xf32> -> vector<3200x16xf32>
    %get3A_18 = arith.constant 0 : index
    %get3A_19 = arith.constant 0 : index
    %get3A_20 = vector.load %arg3[%get3A_18, %get3A_19] : memref<1x16xf32, #tpu.memory_space<vmem>>, vector<1x16xf32>
    %add3A_21 = vector.broadcast %get3A_20 : vector<1x16xf32> to vector<3200x16xf32>
    %add3A_22 = arith.addf %dot_general3A_17, %add3A_21 : vector<3200x16xf32>
    %get3A_23 = arith.constant 0 : index
    %get3A_24 = arith.constant 0 : index
    %get3A_25 = vector.load %arg5[%get3A_23, %get3A_24] : memref<16x32xf32, #tpu.memory_space<vmem>>, vector<16x32xf32>
    %dot_general3A_26 = arith.constant dense<0.000000e+00> : vector<3200x32xf32>
    %dot_general3A_27 = tpu.matmul %add3A_22, %get3A_25, %dot_general3A_26 {dimension_numbers = #tpu.dot_dimension_numbers<[1], [0], [0], [1], [0, 0, 1, 1], [], []>, transpose_lhs_hint = false} : vector<3200x16xf32>, vector<16x32xf32>, vector<3200x32xf32> -> vector<3200x32xf32>
    %get3A_28 = arith.constant 0 : index
    %get3A_29 = arith.constant 0 : index
    %get3A_30 = vector.load %arg6[%get3A_28, %get3A_29] : memref<1x32xf32, #tpu.memory_space<vmem>>, vector<1x32xf32>
    %add3A_31 = vector.broadcast %get3A_30 : vector<1x32xf32> to vector<3200x32xf32>
    %add3A_32 = arith.addf %dot_general3A_27, %add3A_31 : vector<3200x32xf32>
    %ge3A = arith.constant 0.000000e+00 : f32
    %ge3A_33 = vector.broadcast %ge3A : f32 to vector<3200x32xf32>
    %ge3A_34 = arith.cmpf oge, %add3A_32, %ge3A_33 : vector<3200x32xf32>
    %mul3A_35 = arith.constant 1.000000e-01 : f32
    %mul3A_36 = vector.broadcast %mul3A_35 : f32 to vector<3200x32xf32>
    %mul3A_37 = arith.mulf %mul3A_36, %add3A_32 : vector<3200x32xf32>
    %select_n3A = arith.select %ge3A_34, %add3A_32, %mul3A_37 : vector<3200x32xi1>, vector<3200x32xf32>
    %get3A_38 = arith.constant 0 : index
    %get3A_39 = arith.constant 0 : index
    %get3A_40 = vector.load %arg7[%get3A_38, %get3A_39] : memref<32x32xf32, #tpu.memory_space<vmem>>, vector<32x32xf32>
    %dot_general3A_41 = arith.constant dense<0.000000e+00> : vector<3200x32xf32>
    %dot_general3A_42 = tpu.matmul %select_n3A, %get3A_40, %dot_general3A_41 {dimension_numbers = #tpu.dot_dimension_numbers<[1], [0], [0], [1], [0, 0, 1, 1], [], []>, transpose_lhs_hint = false} : vector<3200x32xf32>, vector<32x32xf32>, vector<3200x32xf32> -> vector<3200x32xf32>
    %get3A_43 = arith.constant 0 : index
    %get3A_44 = arith.constant 0 : index
    %get3A_45 = vector.load %arg8[%get3A_43, %get3A_44] : memref<1x32xf32, #tpu.memory_space<vmem>>, vector<1x32xf32>
    %add3A_46 = vector.broadcast %get3A_45 : vector<1x32xf32> to vector<3200x32xf32>
    %add3A_47 = arith.addf %dot_general3A_42, %add3A_46 : vector<3200x32xf32>
    %ge3A_48 = arith.constant 0.000000e+00 : f32
    %ge3A_49 = vector.broadcast %ge3A_48 : f32 to vector<3200x32xf32>
    %ge3A_50 = arith.cmpf oge, %add3A_47, %ge3A_49 : vector<3200x32xf32>
    %mul3A_51 = arith.constant 1.000000e-01 : f32
    %mul3A_52 = vector.broadcast %mul3A_51 : f32 to vector<3200x32xf32>
    %mul3A_53 = arith.mulf %mul3A_52, %add3A_47 : vector<3200x32xf32>
    %select_n3A_54 = arith.select %ge3A_50, %add3A_47, %mul3A_53 : vector<3200x32xi1>, vector<3200x32xf32>
    %get3A_55 = arith.constant 0 : index
    %get3A_56 = arith.constant 0 : index
    %get3A_57 = vector.load %arg9[%get3A_55, %get3A_56] : memref<32x16xf32, #tpu.memory_space<vmem>>, vector<32x16xf32>
    %dot_general3A_58 = arith.constant dense<0.000000e+00> : vector<3200x16xf32>
    %dot_general3A_59 = tpu.matmul %select_n3A_54, %get3A_57, %dot_general3A_58 {dimension_numbers = #tpu.dot_dimension_numbers<[1], [0], [0], [1], [0, 0, 1, 1], [], []>, transpose_lhs_hint = false} : vector<3200x32xf32>, vector<32x16xf32>, vector<3200x16xf32> -> vector<3200x16xf32>
    %get3A_60 = arith.constant 0 : index
    %get3A_61 = arith.constant 0 : index
    %get3A_62 = vector.load %arg10[%get3A_60, %get3A_61] : memref<1x16xf32, #tpu.memory_space<vmem>>, vector<1x16xf32>
    %add3A_63 = vector.broadcast %get3A_62 : vector<1x16xf32> to vector<3200x16xf32>
    %add3A_64 = arith.addf %dot_general3A_59, %add3A_63 : vector<3200x16xf32>
    %get3A_65 = arith.constant 0 : index
    %get3A_66 = arith.constant 0 : index
    %get3A_67 = vector.load %arg4[%get3A_65, %get3A_66] : memref<16x16xf32, #tpu.memory_space<vmem>>, vector<16x16xf32>
    %dot_general3A_68 = arith.constant dense<0.000000e+00> : vector<3200x16xf32>
    %dot_general3A_69 = tpu.matmul %add3A_22, %get3A_67, %dot_general3A_68 {dimension_numbers = #tpu.dot_dimension_numbers<[1], [0], [0], [1], [0, 0, 1, 1], [], []>, transpose_lhs_hint = false} : vector<3200x16xf32>, vector<16x16xf32>, vector<3200x16xf32> -> vector<3200x16xf32>
    %add3A_70 = arith.addf %dot_general3A_69, %add3A_64 : vector<3200x16xf32>
    %mul3A_71 = arith.constant 1.400000e+00 : f32
    %mul3A_72 = vector.broadcast %mul3A_71 : f32 to vector<3200x3xf32>
    %mul3A_73 = arith.mulf %get3A_1, %mul3A_72 : vector<3200x3xf32>
    %mul3A_74 = arith.mulf %mul3A_73, %mul3A_73 : vector<3200x3xf32>
    %reduce_sum3A_75 = arith.constant dense<0.000000e+00> : vector<3200xf32>
    %reduce_sum3A_76 = vector.multi_reduction <add>, %mul3A_74, %reduce_sum3A_75 [1] : vector<3200x3xf32> to vector<3200xf32>
    %broadcast_in_dim3A_77 = vector.shape_cast %reduce_sum3A_76 : vector<3200xf32> to vector<3200x1xf32>
    %add3A_78 = arith.constant 9.99999996E-13 : f32
    %add3A_79 = vector.broadcast %add3A_78 : f32 to vector<3200x1xf32>
    %add3A_80 = arith.addf %broadcast_in_dim3A_77, %add3A_79 : vector<3200x1xf32>
    %sqrt3A_81 = math.sqrt %add3A_80 : vector<3200x1xf32>
    %tanh3A = math.tanh %sqrt3A_81 : vector<3200x1xf32>
    %div3A_82 = arith.divf %tanh3A, %sqrt3A_81 : vector<3200x1xf32>
    %mul3A_83 = vector.broadcast %div3A_82 : vector<3200x1xf32> to vector<3200x3xf32>
    %mul3A_84 = arith.mulf %mul3A_73, %mul3A_83 : vector<3200x3xf32>
    %slice3A = vector.extract_strided_slice %mul3A_84 {offsets = [0, 0], sizes = [3200, 1], strides = [1, 1]} : vector<3200x3xf32> to vector<3200x1xf32>
    %slice3A_85 = vector.extract_strided_slice %mul3A_84 {offsets = [0, 1], sizes = [3200, 1], strides = [1, 1]} : vector<3200x3xf32> to vector<3200x1xf32>
    %slice3A_86 = vector.extract_strided_slice %mul3A_84 {offsets = [0, 2], sizes = [3200, 1], strides = [1, 1]} : vector<3200x3xf32> to vector<3200x1xf32>
    %broadcast_in_dim3A_87 = arith.constant 1.000000e+00 : f32
    %broadcast_in_dim3A_88 = vector.broadcast %broadcast_in_dim3A_87 : f32 to vector<3200x1xf32>
    %broadcast_in_dim3A_89 = arith.constant 0.000000e+00 : f32
    %broadcast_in_dim3A_90 = vector.broadcast %broadcast_in_dim3A_89 : f32 to vector<3200x6xf32>
    %mul3A_91 = arith.mulf %slice3A, %slice3A : vector<3200x1xf32>
    %mul3A_92 = arith.mulf %slice3A, %slice3A_85 : vector<3200x1xf32>
    %mul3A_93 = arith.mulf %slice3A, %slice3A_86 : vector<3200x1xf32>
    %mul3A_94 = arith.mulf %slice3A_85, %slice3A_85 : vector<3200x1xf32>
    %mul3A_95 = arith.mulf %slice3A_85, %slice3A_86 : vector<3200x1xf32>
    %mul3A_96 = arith.mulf %slice3A_86, %slice3A_86 : vector<3200x1xf32>
    %concatenate3A = tpu.concatenate %broadcast_in_dim3A_88, %slice3A, %slice3A_85, %slice3A_86, %mul3A_91, %mul3A_92, %mul3A_93, %mul3A_94, %mul3A_95, %mul3A_96, %broadcast_in_dim3A_90 in 1 : vector<3200x1xf32>, vector<3200x1xf32>, vector<3200x1xf32>, vector<3200x1xf32>, vector<3200x1xf32>, vector<3200x1xf32>, vector<3200x1xf32>, vector<3200x1xf32>, vector<3200x1xf32>, vector<3200x1xf32>, vector<3200x6xf32> -> vector<3200x16xf32>
    %concatenate3A_97 = tpu.concatenate %add3A_70, %concatenate3A in 1 : vector<3200x16xf32>, vector<3200x16xf32> -> vector<3200x32xf32>
    %swap3A = arith.constant 0 : index
    %swap3A_98 = arith.constant 0 : index
    %swap3A_99 = vector.load %arg11[%swap3A, %swap3A_98] : memref<3200x32xf32, #tpu.memory_space<vmem>>, vector<3200x32xf32>
    tpu.vector_store %arg11[%swap3A, %swap3A_98], %concatenate3A_97 {strides = array<i32>} : memref<3200x32xf32, #tpu.memory_space<vmem>>, vector<3200x32xf32>,
    return
  }
  func.func @transform_0(%arg0: i32) -> (i32, i32) {
    %c0_i32 = arith.constant 0 : i32
    %c0_i32_0 = arith.constant 0 : i32
    return %arg0, %c0_i32 : i32, i32
  }
  func.func @transform_1(%arg0: i32) -> (i32, i32) {
    %c0_i32 = arith.constant 0 : i32
    %c0_i32_0 = arith.constant 0 : i32
    %c0_i32_1 = arith.constant 0 : i32
    return %c0_i32, %c0_i32_0 : i32, i32
  }
  func.func @transform_2(%arg0: i32) -> (i32, i32) {
    %c0_i32 = arith.constant 0 : i32
    %c0_i32_0 = arith.constant 0 : i32
    %c0_i32_1 = arith.constant 0 : i32
    return %c0_i32, %c0_i32_0 : i32, i32
  }
  func.func @transform_3(%arg0: i32) -> (i32, i32) {
    %c0_i32 = arith.constant 0 : i32
    %c0_i32_0 = arith.constant 0 : i32
    %c0_i32_1 = arith.constant 0 : i32
    return %c0_i32, %c0_i32_0 : i32, i32
  }
  func.func @transform_4(%arg0: i32) -> (i32, i32) {
    %c0_i32 = arith.constant 0 : i32
    %c0_i32_0 = arith.constant 0 : i32
    %c0_i32_1 = arith.constant 0 : i32
    return %c0_i32, %c0_i32_0 : i32, i32
  }
  func.func @transform_5(%arg0: i32) -> (i32, i32) {
    %c0_i32 = arith.constant 0 : i32
    %c0_i32_0 = arith.constant 0 : i32
    %c0_i32_1 = arith.constant 0 : i32
    return %c0_i32, %c0_i32_0 : i32, i32
  }
  func.func @transform_6(%arg0: i32) -> (i32, i32) {
    %c0_i32 = arith.constant 0 : i32
    %c0_i32_0 = arith.constant 0 : i32
    %c0_i32_1 = arith.constant 0 : i32
    return %c0_i32, %c0_i32_0 : i32, i32
  }
  func.func @transform_7(%arg0: i32) -> (i32, i32) {
    %c0_i32 = arith.constant 0 : i32
    %c0_i32_0 = arith.constant 0 : i32
    %c0_i32_1 = arith.constant 0 : i32
    return %c0_i32, %c0_i32_0 : i32, i32
  }
  func.func @transform_8(%arg0: i32) -> (i32, i32) {
    %c0_i32 = arith.constant 0 : i32
    %c0_i32_0 = arith.constant 0 : i32
    %c0_i32_1 = arith.constant 0 : i32
    return %c0_i32, %c0_i32_0 : i32, i32
  }
  func.func @transform_9(%arg0: i32) -> (i32, i32) {
    %c0_i32 = arith.constant 0 : i32
    %c0_i32_0 = arith.constant 0 : i32
    %c0_i32_1 = arith.constant 0 : i32
    return %c0_i32, %c0_i32_0 : i32, i32
  }
  func.func @transform_10(%arg0: i32) -> (i32, i32) {
    %c0_i32 = arith.constant 0 : i32
    %c0_i32_0 = arith.constant 0 : i32
    return %arg0, %c0_i32 : i32, i32
  }
}

module attributes {stable_mosaic.version = 14 : i64} {
  func.func @_node_mix_body(%arg0: i32, %arg1: memref<2x2000x160xf32, #tpu.memory_space<vmem>>, %arg2: memref<32x128xf32, #tpu.memory_space<vmem>>, %arg3: memref<32x64xf32, #tpu.memory_space<vmem>>, %arg4: memref<32x32xf32, #tpu.memory_space<vmem>>, %arg5: memref<2000x128xf32, #tpu.memory_space<vmem>>, %arg6: memref<3x2000x64xf32, #tpu.memory_space<vmem>>, %arg7: memref<6x2000x32xf32, #tpu.memory_space<vmem>>) attributes {dimension_semantics = [#tpu.dimension_semantics<arbitrary>], iteration_bounds = array<i64: 5>, scalar_prefetch = 0 : i64, scratch_operands = 0 : i64, tpu.core_type = #tpu.core_type<tc>, window_params = [{transform_indices = @transform_0, window_bounds = array<i64: 2, 2000, 160>}, {pipeline_mode = #tpu.pipeline_mode<synchronous>, transform_indices = @transform_1, window_bounds = array<i64: 32, 128>}, {pipeline_mode = #tpu.pipeline_mode<synchronous>, transform_indices = @transform_2, window_bounds = array<i64: 32, 64>}, {pipeline_mode = #tpu.pipeline_mode<synchronous>, transform_indices = @transform_3, window_bounds = array<i64: 32, 32>}, {transform_indices = @transform_4, window_bounds = array<i64: 2000, 128>}, {transform_indices = @transform_5, window_bounds = array<i64: 3, 2000, 64>}, {transform_indices = @transform_6, window_bounds = array<i64: 6, 2000, 32>}]} {
    %get3A = arith.constant 0 : index
    %get3A_0 = arith.constant 0 : index
    %get3A_1 = arith.constant 0 : index
    %get3A_2 = vector.load %arg1[%get3A, %get3A_0, %get3A_1] : memref<2x2000x160xf32, #tpu.memory_space<vmem>>, vector<2x2000x160xf32>
    %get3A_3 = arith.constant 0 : index
    %get3A_4 = arith.constant 0 : index
    %get3A_5 = vector.load %arg2[%get3A_3, %get3A_4] : memref<32x128xf32, #tpu.memory_space<vmem>>, vector<32x128xf32>
    %get3A_6 = arith.constant 0 : index
    %get3A_7 = arith.constant 0 : index
    %get3A_8 = vector.load %arg3[%get3A_6, %get3A_7] : memref<32x64xf32, #tpu.memory_space<vmem>>, vector<32x64xf32>
    %get3A_9 = arith.constant 0 : index
    %get3A_10 = arith.constant 0 : index
    %get3A_11 = vector.load %arg4[%get3A_9, %get3A_10] : memref<32x32xf32, #tpu.memory_space<vmem>>, vector<32x32xf32>
    %slice3A = vector.extract_strided_slice %get3A_2 {offsets = [0, 0, 0], sizes = [1, 2000, 16], strides = [1, 1, 1]} : vector<2x2000x160xf32> to vector<1x2000x16xf32>
    %squeeze3A = vector.shape_cast %slice3A : vector<1x2000x16xf32> to vector<2000x16xf32>
    %slice3A_12 = vector.extract_strided_slice %get3A_2 {offsets = [1, 0, 0], sizes = [1, 2000, 16], strides = [1, 1, 1]} : vector<2x2000x160xf32> to vector<1x2000x16xf32>
    %squeeze3A_13 = vector.shape_cast %slice3A_12 : vector<1x2000x16xf32> to vector<2000x16xf32>
    %concatenate3A = tpu.concatenate %squeeze3A, %squeeze3A_13 in 1 : vector<2000x16xf32>, vector<2000x16xf32> -> vector<2000x32xf32>
    %dot_general3A = arith.constant dense<0.000000e+00> : vector<2000x128xf32>
    %dot_general3A_14 = tpu.matmul %concatenate3A, %get3A_5, %dot_general3A {dimension_numbers = #tpu.dot_dimension_numbers<[1], [0], [0], [1], [0, 0, 1, 1], [], []>, transpose_lhs_hint = false} : vector<2000x32xf32>, vector<32x128xf32>, vector<2000x128xf32> -> vector<2000x128xf32>
    %swap3A = arith.constant 0 : index
    %swap3A_15 = arith.constant 0 : index
    %swap3A_16 = vector.load %arg5[%swap3A, %swap3A_15] : memref<2000x128xf32, #tpu.memory_space<vmem>>, vector<2000x128xf32>
    tpu.vector_store %arg5[%swap3A, %swap3A_15], %dot_general3A_14 {strides = array<i32>} : memref<2000x128xf32, #tpu.memory_space<vmem>>, vector<2000x128xf32>,
    %slice3A_17 = vector.extract_strided_slice %get3A_2 {offsets = [0, 0, 16], sizes = [1, 2000, 16], strides = [1, 1, 1]} : vector<2x2000x160xf32> to vector<1x2000x16xf32>
    %squeeze3A_18 = vector.shape_cast %slice3A_17 : vector<1x2000x16xf32> to vector<2000x16xf32>
    %slice3A_19 = vector.extract_strided_slice %get3A_2 {offsets = [1, 0, 16], sizes = [1, 2000, 16], strides = [1, 1, 1]} : vector<2x2000x160xf32> to vector<1x2000x16xf32>
    %squeeze3A_20 = vector.shape_cast %slice3A_19 : vector<1x2000x16xf32> to vector<2000x16xf32>
    %concatenate3A_21 = tpu.concatenate %squeeze3A_18, %squeeze3A_20 in 1 : vector<2000x16xf32>, vector<2000x16xf32> -> vector<2000x32xf32>
    %dot_general3A_22 = arith.constant dense<0.000000e+00> : vector<2000x64xf32>
    %dot_general3A_23 = tpu.matmul %concatenate3A_21, %get3A_8, %dot_general3A_22 {dimension_numbers = #tpu.dot_dimension_numbers<[1], [0], [0], [1], [0, 0, 1, 1], [], []>, transpose_lhs_hint = false} : vector<2000x32xf32>, vector<32x64xf32>, vector<2000x64xf32> -> vector<2000x64xf32>
    %swap3A_24 = arith.constant 0 : index
    %swap3A_25 = arith.constant 0 : index
    %swap3A_26 = arith.constant 0 : index
    %swap3A_27 = vector.load %arg6[%swap3A_24, %swap3A_25, %swap3A_26] : memref<3x2000x64xf32, #tpu.memory_space<vmem>>, vector<1x2000x64xf32>
    %swap3A_28 = vector.shape_cast %swap3A_27 : vector<1x2000x64xf32> to vector<2000x64xf32>
    %swap3A_29 = vector.shape_cast %dot_general3A_23 : vector<2000x64xf32> to vector<1x2000x64xf32>
    tpu.vector_store %arg6[%swap3A_24, %swap3A_25, %swap3A_26], %swap3A_29 {strides = array<i32>} : memref<3x2000x64xf32, #tpu.memory_space<vmem>>, vector<1x2000x64xf32>,
    %slice3A_30 = vector.extract_strided_slice %get3A_2 {offsets = [0, 0, 32], sizes = [1, 2000, 16], strides = [1, 1, 1]} : vector<2x2000x160xf32> to vector<1x2000x16xf32>
    %squeeze3A_31 = vector.shape_cast %slice3A_30 : vector<1x2000x16xf32> to vector<2000x16xf32>
    %slice3A_32 = vector.extract_strided_slice %get3A_2 {offsets = [1, 0, 32], sizes = [1, 2000, 16], strides = [1, 1, 1]} : vector<2x2000x160xf32> to vector<1x2000x16xf32>
    %squeeze3A_33 = vector.shape_cast %slice3A_32 : vector<1x2000x16xf32> to vector<2000x16xf32>
    %concatenate3A_34 = tpu.concatenate %squeeze3A_31, %squeeze3A_33 in 1 : vector<2000x16xf32>, vector<2000x16xf32> -> vector<2000x32xf32>
    %dot_general3A_35 = arith.constant dense<0.000000e+00> : vector<2000x64xf32>
    %dot_general3A_36 = tpu.matmul %concatenate3A_34, %get3A_8, %dot_general3A_35 {dimension_numbers = #tpu.dot_dimension_numbers<[1], [0], [0], [1], [0, 0, 1, 1], [], []>, transpose_lhs_hint = false} : vector<2000x32xf32>, vector<32x64xf32>, vector<2000x64xf32> -> vector<2000x64xf32>
    %swap3A_37 = arith.constant 1 : index
    %swap3A_38 = arith.constant 0 : index
    %swap3A_39 = arith.constant 0 : index
    %swap3A_40 = vector.load %arg6[%swap3A_37, %swap3A_38, %swap3A_39] : memref<3x2000x64xf32, #tpu.memory_space<vmem>>, vector<1x2000x64xf32>
    %swap3A_41 = vector.shape_cast %swap3A_40 : vector<1x2000x64xf32> to vector<2000x64xf32>
    %swap3A_42 = vector.shape_cast %dot_general3A_36 : vector<2000x64xf32> to vector<1x2000x64xf32>
    tpu.vector_store %arg6[%swap3A_37, %swap3A_38, %swap3A_39], %swap3A_42 {strides = array<i32>} : memref<3x2000x64xf32, #tpu.memory_space<vmem>>, vector<1x2000x64xf32>,
    %slice3A_43 = vector.extract_strided_slice %get3A_2 {offsets = [0, 0, 48], sizes = [1, 2000, 16], strides = [1, 1, 1]} : vector<2x2000x160xf32> to vector<1x2000x16xf32>
    %squeeze3A_44 = vector.shape_cast %slice3A_43 : vector<1x2000x16xf32> to vector<2000x16xf32>
    %slice3A_45 = vector.extract_strided_slice %get3A_2 {offsets = [1, 0, 48], sizes = [1, 2000, 16], strides = [1, 1, 1]} : vector<2x2000x160xf32> to vector<1x2000x16xf32>
    %squeeze3A_46 = vector.shape_cast %slice3A_45 : vector<1x2000x16xf32> to vector<2000x16xf32>
    %concatenate3A_47 = tpu.concatenate %squeeze3A_44, %squeeze3A_46 in 1 : vector<2000x16xf32>, vector<2000x16xf32> -> vector<2000x32xf32>
    %dot_general3A_48 = arith.constant dense<0.000000e+00> : vector<2000x64xf32>
    %dot_general3A_49 = tpu.matmul %concatenate3A_47, %get3A_8, %dot_general3A_48 {dimension_numbers = #tpu.dot_dimension_numbers<[1], [0], [0], [1], [0, 0, 1, 1], [], []>, transpose_lhs_hint = false} : vector<2000x32xf32>, vector<32x64xf32>, vector<2000x64xf32> -> vector<2000x64xf32>
    %swap3A_50 = arith.constant 2 : index
    %swap3A_51 = arith.constant 0 : index
    %swap3A_52 = arith.constant 0 : index
    %swap3A_53 = vector.load %arg6[%swap3A_50, %swap3A_51, %swap3A_52] : memref<3x2000x64xf32, #tpu.memory_space<vmem>>, vector<1x2000x64xf32>
    %swap3A_54 = vector.shape_cast %swap3A_53 : vector<1x2000x64xf32> to vector<2000x64xf32>
    %swap3A_55 = vector.shape_cast %dot_general3A_49 : vector<2000x64xf32> to vector<1x2000x64xf32>
    tpu.vector_store %arg6[%swap3A_50, %swap3A_51, %swap3A_52], %swap3A_55 {strides = array<i32>} : memref<3x2000x64xf32, #tpu.memory_space<vmem>>, vector<1x2000x64xf32>,
    %slice3A_56 = vector.extract_strided_slice %get3A_2 {offsets = [0, 0, 64], sizes = [1, 2000, 16], strides = [1, 1, 1]} : vector<2x2000x160xf32> to vector<1x2000x16xf32>
    %squeeze3A_57 = vector.shape_cast %slice3A_56 : vector<1x2000x16xf32> to vector<2000x16xf32>
    %slice3A_58 = vector.extract_strided_slice %get3A_2 {offsets = [1, 0, 64], sizes = [1, 2000, 16], strides = [1, 1, 1]} : vector<2x2000x160xf32> to vector<1x2000x16xf32>
    %squeeze3A_59 = vector.shape_cast %slice3A_58 : vector<1x2000x16xf32> to vector<2000x16xf32>
    %concatenate3A_60 = tpu.concatenate %squeeze3A_57, %squeeze3A_59 in 1 : vector<2000x16xf32>, vector<2000x16xf32> -> vector<2000x32xf32>
    %dot_general3A_61 = arith.constant dense<0.000000e+00> : vector<2000x32xf32>
    %dot_general3A_62 = tpu.matmul %concatenate3A_60, %get3A_11, %dot_general3A_61 {dimension_numbers = #tpu.dot_dimension_numbers<[1], [0], [0], [1], [0, 0, 1, 1], [], []>, transpose_lhs_hint = false} : vector<2000x32xf32>, vector<32x32xf32>, vector<2000x32xf32> -> vector<2000x32xf32>
    %swap3A_63 = arith.constant 0 : index
    %swap3A_64 = arith.constant 0 : index
    %swap3A_65 = arith.constant 0 : index
    %swap3A_66 = vector.load %arg7[%swap3A_63, %swap3A_64, %swap3A_65] : memref<6x2000x32xf32, #tpu.memory_space<vmem>>, vector<1x2000x32xf32>
    %swap3A_67 = vector.shape_cast %swap3A_66 : vector<1x2000x32xf32> to vector<2000x32xf32>
    %swap3A_68 = vector.shape_cast %dot_general3A_62 : vector<2000x32xf32> to vector<1x2000x32xf32>
    tpu.vector_store %arg7[%swap3A_63, %swap3A_64, %swap3A_65], %swap3A_68 {strides = array<i32>} : memref<6x2000x32xf32, #tpu.memory_space<vmem>>, vector<1x2000x32xf32>,
    %slice3A_69 = vector.extract_strided_slice %get3A_2 {offsets = [0, 0, 80], sizes = [1, 2000, 16], strides = [1, 1, 1]} : vector<2x2000x160xf32> to vector<1x2000x16xf32>
    %squeeze3A_70 = vector.shape_cast %slice3A_69 : vector<1x2000x16xf32> to vector<2000x16xf32>
    %slice3A_71 = vector.extract_strided_slice %get3A_2 {offsets = [1, 0, 80], sizes = [1, 2000, 16], strides = [1, 1, 1]} : vector<2x2000x160xf32> to vector<1x2000x16xf32>
    %squeeze3A_72 = vector.shape_cast %slice3A_71 : vector<1x2000x16xf32> to vector<2000x16xf32>
    %concatenate3A_73 = tpu.concatenate %squeeze3A_70, %squeeze3A_72 in 1 : vector<2000x16xf32>, vector<2000x16xf32> -> vector<2000x32xf32>
    %dot_general3A_74 = arith.constant dense<0.000000e+00> : vector<2000x32xf32>
    %dot_general3A_75 = tpu.matmul %concatenate3A_73, %get3A_11, %dot_general3A_74 {dimension_numbers = #tpu.dot_dimension_numbers<[1], [0], [0], [1], [0, 0, 1, 1], [], []>, transpose_lhs_hint = false} : vector<2000x32xf32>, vector<32x32xf32>, vector<2000x32xf32> -> vector<2000x32xf32>
    %swap3A_76 = arith.constant 1 : index
    %swap3A_77 = arith.constant 0 : index
    %swap3A_78 = arith.constant 0 : index
    %swap3A_79 = vector.load %arg7[%swap3A_76, %swap3A_77, %swap3A_78] : memref<6x2000x32xf32, #tpu.memory_space<vmem>>, vector<1x2000x32xf32>
    %swap3A_80 = vector.shape_cast %swap3A_79 : vector<1x2000x32xf32> to vector<2000x32xf32>
    %swap3A_81 = vector.shape_cast %dot_general3A_75 : vector<2000x32xf32> to vector<1x2000x32xf32>
    tpu.vector_store %arg7[%swap3A_76, %swap3A_77, %swap3A_78], %swap3A_81 {strides = array<i32>} : memref<6x2000x32xf32, #tpu.memory_space<vmem>>, vector<1x2000x32xf32>,
    %slice3A_82 = vector.extract_strided_slice %get3A_2 {offsets = [0, 0, 96], sizes = [1, 2000, 16], strides = [1, 1, 1]} : vector<2x2000x160xf32> to vector<1x2000x16xf32>
    %squeeze3A_83 = vector.shape_cast %slice3A_82 : vector<1x2000x16xf32> to vector<2000x16xf32>
    %slice3A_84 = vector.extract_strided_slice %get3A_2 {offsets = [1, 0, 96], sizes = [1, 2000, 16], strides = [1, 1, 1]} : vector<2x2000x160xf32> to vector<1x2000x16xf32>
    %squeeze3A_85 = vector.shape_cast %slice3A_84 : vector<1x2000x16xf32> to vector<2000x16xf32>
    %concatenate3A_86 = tpu.concatenate %squeeze3A_83, %squeeze3A_85 in 1 : vector<2000x16xf32>, vector<2000x16xf32> -> vector<2000x32xf32>
    %dot_general3A_87 = arith.constant dense<0.000000e+00> : vector<2000x32xf32>
    %dot_general3A_88 = tpu.matmul %concatenate3A_86, %get3A_11, %dot_general3A_87 {dimension_numbers = #tpu.dot_dimension_numbers<[1], [0], [0], [1], [0, 0, 1, 1], [], []>, transpose_lhs_hint = false} : vector<2000x32xf32>, vector<32x32xf32>, vector<2000x32xf32> -> vector<2000x32xf32>
    %swap3A_89 = arith.constant 2 : index
    %swap3A_90 = arith.constant 0 : index
    %swap3A_91 = arith.constant 0 : index
    %swap3A_92 = vector.load %arg7[%swap3A_89, %swap3A_90, %swap3A_91] : memref<6x2000x32xf32, #tpu.memory_space<vmem>>, vector<1x2000x32xf32>
    %swap3A_93 = vector.shape_cast %swap3A_92 : vector<1x2000x32xf32> to vector<2000x32xf32>
    %swap3A_94 = vector.shape_cast %dot_general3A_88 : vector<2000x32xf32> to vector<1x2000x32xf32>
    tpu.vector_store %arg7[%swap3A_89, %swap3A_90, %swap3A_91], %swap3A_94 {strides = array<i32>} : memref<6x2000x32xf32, #tpu.memory_space<vmem>>, vector<1x2000x32xf32>,
    %slice3A_95 = vector.extract_strided_slice %get3A_2 {offsets = [0, 0, 112], sizes = [1, 2000, 16], strides = [1, 1, 1]} : vector<2x2000x160xf32> to vector<1x2000x16xf32>
    %squeeze3A_96 = vector.shape_cast %slice3A_95 : vector<1x2000x16xf32> to vector<2000x16xf32>
    %slice3A_97 = vector.extract_strided_slice %get3A_2 {offsets = [1, 0, 112], sizes = [1, 2000, 16], strides = [1, 1, 1]} : vector<2x2000x160xf32> to vector<1x2000x16xf32>
    %squeeze3A_98 = vector.shape_cast %slice3A_97 : vector<1x2000x16xf32> to vector<2000x16xf32>
    %concatenate3A_99 = tpu.concatenate %squeeze3A_96, %squeeze3A_98 in 1 : vector<2000x16xf32>, vector<2000x16xf32> -> vector<2000x32xf32>
    %dot_general3A_100 = arith.constant dense<0.000000e+00> : vector<2000x32xf32>
    %dot_general3A_101 = tpu.matmul %concatenate3A_99, %get3A_11, %dot_general3A_100 {dimension_numbers = #tpu.dot_dimension_numbers<[1], [0], [0], [1], [0, 0, 1, 1], [], []>, transpose_lhs_hint = false} : vector<2000x32xf32>, vector<32x32xf32>, vector<2000x32xf32> -> vector<2000x32xf32>
    %swap3A_102 = arith.constant 3 : index
    %swap3A_103 = arith.constant 0 : index
    %swap3A_104 = arith.constant 0 : index
    %swap3A_105 = vector.load %arg7[%swap3A_102, %swap3A_103, %swap3A_104] : memref<6x2000x32xf32, #tpu.memory_space<vmem>>, vector<1x2000x32xf32>
    %swap3A_106 = vector.shape_cast %swap3A_105 : vector<1x2000x32xf32> to vector<2000x32xf32>
    %swap3A_107 = vector.shape_cast %dot_general3A_101 : vector<2000x32xf32> to vector<1x2000x32xf32>
    tpu.vector_store %arg7[%swap3A_102, %swap3A_103, %swap3A_104], %swap3A_107 {strides = array<i32>} : memref<6x2000x32xf32, #tpu.memory_space<vmem>>, vector<1x2000x32xf32>,
    %slice3A_108 = vector.extract_strided_slice %get3A_2 {offsets = [0, 0, 128], sizes = [1, 2000, 16], strides = [1, 1, 1]} : vector<2x2000x160xf32> to vector<1x2000x16xf32>
    %squeeze3A_109 = vector.shape_cast %slice3A_108 : vector<1x2000x16xf32> to vector<2000x16xf32>
    %slice3A_110 = vector.extract_strided_slice %get3A_2 {offsets = [1, 0, 128], sizes = [1, 2000, 16], strides = [1, 1, 1]} : vector<2x2000x160xf32> to vector<1x2000x16xf32>
    %squeeze3A_111 = vector.shape_cast %slice3A_110 : vector<1x2000x16xf32> to vector<2000x16xf32>
    %concatenate3A_112 = tpu.concatenate %squeeze3A_109, %squeeze3A_111 in 1 : vector<2000x16xf32>, vector<2000x16xf32> -> vector<2000x32xf32>
    %dot_general3A_113 = arith.constant dense<0.000000e+00> : vector<2000x32xf32>
    %dot_general3A_114 = tpu.matmul %concatenate3A_112, %get3A_11, %dot_general3A_113 {dimension_numbers = #tpu.dot_dimension_numbers<[1], [0], [0], [1], [0, 0, 1, 1], [], []>, transpose_lhs_hint = false} : vector<2000x32xf32>, vector<32x32xf32>, vector<2000x32xf32> -> vector<2000x32xf32>
    %swap3A_115 = arith.constant 4 : index
    %swap3A_116 = arith.constant 0 : index
    %swap3A_117 = arith.constant 0 : index
    %swap3A_118 = vector.load %arg7[%swap3A_115, %swap3A_116, %swap3A_117] : memref<6x2000x32xf32, #tpu.memory_space<vmem>>, vector<1x2000x32xf32>
    %swap3A_119 = vector.shape_cast %swap3A_118 : vector<1x2000x32xf32> to vector<2000x32xf32>
    %swap3A_120 = vector.shape_cast %dot_general3A_114 : vector<2000x32xf32> to vector<1x2000x32xf32>
    tpu.vector_store %arg7[%swap3A_115, %swap3A_116, %swap3A_117], %swap3A_120 {strides = array<i32>} : memref<6x2000x32xf32, #tpu.memory_space<vmem>>, vector<1x2000x32xf32>,
    %slice3A_121 = vector.extract_strided_slice %get3A_2 {offsets = [0, 0, 144], sizes = [1, 2000, 16], strides = [1, 1, 1]} : vector<2x2000x160xf32> to vector<1x2000x16xf32>
    %squeeze3A_122 = vector.shape_cast %slice3A_121 : vector<1x2000x16xf32> to vector<2000x16xf32>
    %slice3A_123 = vector.extract_strided_slice %get3A_2 {offsets = [1, 0, 144], sizes = [1, 2000, 16], strides = [1, 1, 1]} : vector<2x2000x160xf32> to vector<1x2000x16xf32>
    %squeeze3A_124 = vector.shape_cast %slice3A_123 : vector<1x2000x16xf32> to vector<2000x16xf32>
    %concatenate3A_125 = tpu.concatenate %squeeze3A_122, %squeeze3A_124 in 1 : vector<2000x16xf32>, vector<2000x16xf32> -> vector<2000x32xf32>
    %dot_general3A_126 = arith.constant dense<0.000000e+00> : vector<2000x32xf32>
    %dot_general3A_127 = tpu.matmul %concatenate3A_125, %get3A_11, %dot_general3A_126 {dimension_numbers = #tpu.dot_dimension_numbers<[1], [0], [0], [1], [0, 0, 1, 1], [], []>, transpose_lhs_hint = false} : vector<2000x32xf32>, vector<32x32xf32>, vector<2000x32xf32> -> vector<2000x32xf32>
    %swap3A_128 = arith.constant 5 : index
    %swap3A_129 = arith.constant 0 : index
    %swap3A_130 = arith.constant 0 : index
    %swap3A_131 = vector.load %arg7[%swap3A_128, %swap3A_129, %swap3A_130] : memref<6x2000x32xf32, #tpu.memory_space<vmem>>, vector<1x2000x32xf32>
    %swap3A_132 = vector.shape_cast %swap3A_131 : vector<1x2000x32xf32> to vector<2000x32xf32>
    %swap3A_133 = vector.shape_cast %dot_general3A_127 : vector<2000x32xf32> to vector<1x2000x32xf32>
    tpu.vector_store %arg7[%swap3A_128, %swap3A_129, %swap3A_130], %swap3A_133 {strides = array<i32>} : memref<6x2000x32xf32, #tpu.memory_space<vmem>>, vector<1x2000x32xf32>,
    return
  }
  func.func @transform_0(%arg0: i32) -> (i32, i32, i32) {
    %c0_i32 = arith.constant 0 : i32
    %c0_i32_0 = arith.constant 0 : i32
    %c0_i32_1 = arith.constant 0 : i32
    return %c0_i32, %arg0, %c0_i32_0 : i32, i32, i32
  }
  func.func @transform_1(%arg0: i32) -> (i32, i32) {
    %c0_i32 = arith.constant 0 : i32
    %c0_i32_0 = arith.constant 0 : i32
    %c0_i32_1 = arith.constant 0 : i32
    return %c0_i32, %c0_i32_0 : i32, i32
  }
  func.func @transform_2(%arg0: i32) -> (i32, i32) {
    %c0_i32 = arith.constant 0 : i32
    %c0_i32_0 = arith.constant 0 : i32
    %c0_i32_1 = arith.constant 0 : i32
    return %c0_i32, %c0_i32_0 : i32, i32
  }
  func.func @transform_3(%arg0: i32) -> (i32, i32) {
    %c0_i32 = arith.constant 0 : i32
    %c0_i32_0 = arith.constant 0 : i32
    %c0_i32_1 = arith.constant 0 : i32
    return %c0_i32, %c0_i32_0 : i32, i32
  }
  func.func @transform_4(%arg0: i32) -> (i32, i32) {
    %c0_i32 = arith.constant 0 : i32
    %c0_i32_0 = arith.constant 0 : i32
    return %arg0, %c0_i32 : i32, i32
  }
  func.func @transform_5(%arg0: i32) -> (i32, i32, i32) {
    %c0_i32 = arith.constant 0 : i32
    %c0_i32_0 = arith.constant 0 : i32
    %c0_i32_1 = arith.constant 0 : i32
    return %c0_i32, %arg0, %c0_i32_0 : i32, i32, i32
  }
  func.func @transform_6(%arg0: i32) -> (i32, i32, i32) {
    %c0_i32 = arith.constant 0 : i32
    %c0_i32_0 = arith.constant 0 : i32
    %c0_i32_1 = arith.constant 0 : i32
    return %c0_i32, %arg0, %c0_i32_0 : i32, i32, i32
  }
}

</mosaic_0001>

<sc_bundles>
// kernel: kernel.5.cloned.1.call-start
scs
__scs_entry_jumppad:
0x0: {  	(pc) =	sbr.rel $0x88, $3  }
0x1: {  	(tag) =	ssettag $0x0;
	lr =	simm.s32 $0x1  }
0x2: {  	[smem:$0x3F93] =	sst lr;
	_ =	strace $0xD0000000  }
0x3: {  	_ = 	snop  }
0x4: {  	_ = 	snop  }
0x5: {  	_ = 	snop  }
0x6: {  	_ = 	snop  }
0x7: {  	_ = 	snop  }
__scs_overlays_trampoline_lowered:
0x8: {  	[smem:$0x3FA2] =	sst s0  }
0x9: {  	[smem:$0x3FA3] =	sst s1  }
0xa: {  	[smem:$0x3FA4] =	sst s2  }
0xb: {  	[smem:$0x3FA5] =	sst s3  }
0xc: {  	[smem:$0x3FA6] =	sst s4  }
0xd: {  	[smem:$0x3FA7] =	sst s5  }
0xe: {  	[smem:$0x3FA8] =	sst s6  }
0xf: {  	[smem:$0x3FA9] =	sst s7  }
0x10: {  	[smem:$0x3FAA] =	sst s8  }
0x11: {  	[smem:$0x3FAB] =	sst s9;
	s0 =	simm.s32 @!p0 $0x0  }
0x12: {  	s1 =	sld [smem:$0x3F91];
	s0 =	simm.s32 @p0 $0x1  }
0x13: {  	[smem:$0x3FAC] =	sst s0;
	s0 =	simm.s32 @!p1 $0x0  }
0x14: {  	s2 =	sld [smem:$0x3F90];
	s0 =	simm.s32 @p1 $0x1  }
0x15: {  	[smem:$0x3FAD] =	sst s0;
	s0 =	simm.s32 @!p2 $0x0  }
0x16: {  	s3 =	sld [smem:$0x3FDB];
	s0 =	simm.s32 @p2 $0x1  }
0x17: {  	s4 =	simm.s32 $0x1BF5;
	[smem:$0x3FAF] =	sst s0  }
0x18: {  	s0 =	sld [smem:$0x3F92];
	_ =	swait.ge [sflag:s4], $0x0  }
0x19: {  	s7 =	sld [smem:$0x3F93]  }
0x1a: {  	s8 =	sadd.s32 $0xFFFFE003, lr  }
0x1b: {  	s9 =	sadd.s32 $0xFFFFFEF7, lr;
	s5 =	simm.s32 $0xFFFFFFFF;
	p2 =	slt.u32 s8, $0xFFFFF086  }
0x1c: {  	p1 =	slt.u32 s9, $0xF7A;
	s5 =	simm.s32 @!p2 $0x0  }
0x1d: {  	s5 =	simm.s32 @p1 $0x1;
	p0 =	seq.s32 s7, s2  }
0x1e: {  	s7 =	smul.u32 @!p0 $0xF7A, s2;
	p2 =	seq.s32 @!p0 s5, $0x0  }
0x1f: {  	s9 =	smul.u32 $0xF7A, s1;
	s8 =	simm.s32 @!p0 $0x1BF5;
	p2 =	por !p2, p0  }
0x20: {  	[sflag:s8] =	ssyncset.s32 @!p0 $0xFFFFF086;
	s6 =	sadd.s32 @!p0 s3, s7;
	s7 =	simm.s32 @!p0 $0x108  }
0x21: {  	s3 =	sadd.s32 s3, s9;
	s6 =	sadd.s32 @!p0 $0x88, s6;
	s7 =	simm.s32 @p2 $0x1082  }
0x22: {  	[simem:s7], [sflag:s8] =	dma.local @!p0 [hbm:s6], $0xF7A  }
0x23: {  	s9 =	sor.u32 $0xD0000000, s2;
	s6 =	simm.s32 $0x108;
	_ =	swait.ge @!p0 [sflag:s8], $0x0  }
0x24: {  	s3 =	sadd.s32 $0x88, s3;
	s6 =	simm.s32 @!p1 $0x1082;
	[sflag:s4] =	ssyncset.s32 $0xFFFFF086  }
0x25: {  	[simem:s6], [sflag:s4] =	dma.local [hbm:s3], $0xF7A  }
0x26: {  	[smem:$0x3F93] =	sst s1;
	(tag) =	ssettag s2;
	_ =	strace s9  }
0x27: {  	s1 =	sld [smem:$0x3FA3]  }
0x28: {  	s2 =	sld [smem:$0x3FA4]  }
0x29: {  	s4 =	sld [smem:$0x3FA6]  }
0x2a: {  	p0 =	seq.s32 s5, $0x0;
	s5 =	sld [smem:$0x3FA7]  }
0x2b: {  	s6 =	sld [smem:$0x3FA8]  }
0x2c: {  	s7 =	sld [smem:$0x3FA9]  }
0x2d: {  	s3 =	simm.s32 $0x108;
	s8 =	sld [smem:$0x3FAA]  }
0x2e: {  	s3 =	simm.s32 @!p0 $0x1082;
	s9 =	sld [smem:$0x3FAB]  }
0x2f: {  	lr =	sadd.s32 s0, s3;
	s0 =	sld [smem:$0x3FA2]  }
0x30: {  	s3 =	sld [smem:$0x3FA5]  }
0x31: {  	[smem:$0x3FAE] =	sst s10  }
0x32: {  	s10 =	sld [smem:$0x3FAC];
	_ =	sdelay $0x3  }
0x33: {  	p0 =	seq.s32 s10, $0x1;
	s10 =	sld [smem:$0x3FAE];
	_ =	sdelay $0x3  }
0x34: {  	[smem:$0x3FAE] =	sst s10  }
0x35: {  	s10 =	sld [smem:$0x3FAD];
	_ =	sdelay $0x3  }
0x36: {  	p1 =	seq.s32 s10, $0x1;
	s10 =	sld [smem:$0x3FAE];
	_ =	sdelay $0x3  }
0x37: {  	[smem:$0x3FAE] =	sst s10  }
0x38: {  	s10 =	sld [smem:$0x3FAF]  }
0x39: {  	_ = 	snop;
	(pc) =	sbr.ind lr, $3  }
0x3a: {  	_ = 	snop  }
0x3b: {  	_ = 	snop  }
0x3c: {  	p2 =	seq.s32 s10, $0x1;
	s10 =	sld [smem:$0x3FAE]  }
0x3d: {  	_ =	shalt  }
0x3e: {  	_ =	shalt  }
0x3f: {  	_ =	shalt  }
0x40: {  	_ =	shalt  }
0x41: {  	_ =	shalt  }
0x42: {  	_ =	shalt  }
0x43: {  	_ =	shalt  }
0x44: {  	_ =	shalt  }
0x45: {  	_ =	shalt  }
0x46: {  	_ =	shalt  }
0x47: {  	_ =	shalt  }
0x48: {  	_ =	shalt  }
0x49: {  	_ =	shalt  }
0x4a: {  	_ =	shalt  }
0x4b: {  	_ =	shalt  }
0x4c: {  	_ =	shalt  }
0x4d: {  	_ =	shalt  }
0x4e: {  	_ =	shalt  }
0x4f: {  	_ =	shalt  }
0x50: {  	_ =	shalt  }
0x51: {  	_ =	shalt  }
0x52: {  	_ =	shalt  }
0x53: {  	_ =	shalt  }
0x54: {  	_ =	shalt  }
0x55: {  	_ =	shalt  }
0x56: {  	_ =	shalt  }
0x57: {  	_ =	shalt  }
0x58: {  	_ =	shalt  }
0x59: {  	_ =	shalt  }
0x5a: {  	_ =	shalt  }
0x5b: {  	_ =	shalt  }
0x5c: {  	_ =	shalt  }
0x5d: {  	_ =	shalt  }
0x5e: {  	_ =	shalt  }
0x5f: {  	_ =	shalt  }
0x60: {  	_ =	shalt  }
0x61: {  	_ =	shalt  }
0x62: {  	_ =	shalt  }
0x63: {  	_ =	shalt  }
0x64: {  	_ =	shalt  }
0x65: {  	_ =	shalt  }
0x66: {  	_ =	shalt  }
0x67: {  	_ =	shalt  }
0x68: {  	_ =	shalt  }
0x69: {  	_ =	shalt  }
0x6a: {  	_ =	shalt  }
0x6b: {  	_ =	shalt  }
0x6c: {  	_ =	shalt  }
0x6d: {  	_ =	shalt  }
0x6e: {  	_ =	shalt  }
0x6f: {  	_ =	shalt  }
0x70: {  	_ =	shalt  }
0x71: {  	_ =	shalt  }
0x72: {  	_ =	shalt  }
0x73: {  	_ =	shalt  }
0x74: {  	_ =	shalt  }
0x75: {  	_ =	shalt  }
0x76: {  	_ =	shalt  }
0x77: {  	_ =	shalt  }
0x78: {  	_ =	shalt  }
0x79: {  	_ =	shalt  }
0x7a: {  	_ =	shalt  }
0x7b: {  	_ =	shalt  }
0x7c: {  	_ =	shalt  }
0x7d: {  	_ =	shalt  }
0x7e: {  	_ =	shalt  }
0x7f: {  	_ =	shalt  }
0x80: {  	_ =	shalt  }
0x81: {  	_ =	shalt  }
0x82: {  	_ =	shalt  }
0x83: {  	_ =	shalt  }
0x84: {  	_ =	shalt  }
0x85: {  	_ =	shalt  }
0x86: {  	_ =	shalt  }
0x87: {  	_ =	shalt  }
.Lfunc_end0:
.L_simem_size_0:
called_computation_lowered:
.L_overlay_start_0:
0x88: {  	s2 =	sld [smem:$0x3FD9]  }
0x89: {  	s3 =	sld [smem:$0x3FFE];
	_ =	sdelay $0x1  }
0x8a: {  	s1 =	srdreg.scid  }
0x8b: {  	s0 =	sand.u32 $0x1, s1  }
0x8c: {  	s17 =	sshll.u32 s0, $0xA;
	s2 =	sadd.s32 s3, s2  }
0x8d: {  	s2 =	sadd.s32 s2, s17  }
0x8e: {  	[smem:$0x3FBA] =	sst s2  }
0x8f: {  	_ = 	snop  }
0x90: {  	s2 =	sld [smem:$0x3FC8];
	(tm) =	ssettm $0x1  }
0x91: {  	s18 =	sld [smem:$0x3FFB];
	_ =	sdelay $0x3  }
0x92: {  	_ =	strace s18  }
0x93: {  	s3 =	sld [smem:$0x3FFC];
	_ =	sdelay $0x3  }
0x94: {  	_ =	strace s3  }
0x95: {  	s3 =	sld [smem:$0x3FFD];
	_ =	sdelay $0x3  }
0x96: {  	_ =	strace s3  }
0x97: {  	_ =	strace $0x8FFFFFFF  }
0x98: {  	s19 =	sld [smem:$0x3FDB];
	_ =	sdelay $0x1  }
0x99: {  	s4 =	simm.s32 $_scs_section_size  }
0x9a: {  	s5 =	simm.s32 $_size__tile_overlayer_lowered;
	s6 =	simm.s32 $_tile_overlayer_lowered  }
0x9b: {  	s22 =	simm.s32 $0x1BFF;
	s21 =	sshll.u32 s6, $0x1;
	s3 =	sadd.s32 s4, s19  }
0x9c: {  	s7 =	simm.s32 $0x0;
	s20 =	sshll.u32 s5, $0x1;
	s5 =	sadd.s32 s21, s3  }
0x9d: {  	[timem:s7], [sflag:s22] =	dma.local [hbm:s5], s20  }
0x9e: {  	_ =	swait.ge [sflag:s22], s20  }
0x9f: {  	s4 =	ssub.s32 $0x0, s20;
	[sflag:s22] =	ssyncset.done $0x0  }
0xa0: {  	[sflag:s22] =	ssyncadd.s32 s4;
	_ =	sdelay $0x1  }
0xa1: {  	s23 =	simm.s32 $0x1B8B  }
0xa2: {  	_ =	swait.ge [sflag:s23], $0x1  }
0xa3: {  	[sflag:s23] =	ssyncset.done $0x0  }
0xa4: {  	s25 =	simm.s32 $0x1B8E;
	s24 =	sld [smem:$0x3FFE];
	[sflag:s23] =	ssyncadd.s32 $0xFFFFFFFF  }
0xa5: {  	s26 =	simm.s32 $execute0_lowered;
	[smem:$0x3FD2] =	sst s25  }
0xa6: {  	s5 =	sshll.u32 s26, $0x1;
	_ =	strace $0x80000046;
	[dreg:$0x1] =	wrdreg $0xFFFFFFFF  }
0xa7: {  	s28 =	simm.s32 $_size_execute0_lowered;
	s3 =	sadd.s32 s3, s5;
	[dreg:$0x0] =	wrdreg $0x0  }
0xa8: {  	s5 =	sshll.u32 s28, $0x1;
	[dreg:$0x2] =	wrdreg s3  }
0xa9: {  	[dreg:$0x3] =	wrdreg s5  }
0xaa: {  	[dreg:$0x4] =	wrdreg $0xC0  }
0xab: {  	_ =	task [dreg:s7], $0x5FFFF  }
0xac: {  	[dreg:$0x1] =	wrdreg $0xFFFFFFFF  }
0xad: {  	[dreg:$0x0] =	wrdreg $0x60  }
0xae: {  	[dreg:$0x2] =	wrdreg s24  }
0xaf: {  	[dreg:$0x3] =	wrdreg s2  }
0xb0: {  	[dreg:$0x4] =	wrdreg $0x70200  }
0xb1: {  	[dreg:$0x5] =	wrdreg $0x9  }
0xb2: {  	_ =	task.clear_ibuf [dreg:s7], $0x6FFFF;
	_ =	strace $0x90000046  }
0xb3: {  	s29 =	simm.s32 $0x9;
	_ =	strace $0x80000048  }
0xb4: {  	_ =	swait.ge [sflag:s29], $0x1  }
0xb5: {  	[sflag:s29] =	ssyncadd.s32 $0xFFFFFFFF  }
0xb6: {  	_ =	strace $0x90000048  }
0xb7: {  	_ =	sfence  }
0xb8: {  	s30 =	sld [smem:$0x0];
	_ =	sdelay $0x2  }
0xb9: {  	s31 =	sshll.u32 s1, $0xD;
	s1 =	sshrl.u32 s1, $0x2  }
0xba: {  	s3 =	sand.u32 $0x4000, s31;
	s1 =	sadd.s32 s1, s30  }
0xbb: {  	s0 =	sor.u32 s3, s0;
	s1 =	sshll.u32 s1, $0x11  }
0xbc: {  	s0 =	sor.u32 s1, s0  }
0xbd: {  	s0 =	sadd.s32 $0x8F2B, s0  }
0xbe: {  	[sflag:s0] =	ssyncadd.remote.s32 $0x1  }
0xbf: {  	_ =	sfence.sel $0xFFFF  }
0xc0: {  	[dreg:$0x0] =	wrdreg $0xFFFFFFFF;
	(pc) =	sbr.abs _section_cstart, $3  }
0xc1: {  	[dreg:$0x1] =	wrdreg $0xFFFFFFFF  }
0xc2: {  	_ =	task.clear_ibuf [dreg:s7], $0x2FFFF;
	_ =	strace $0x9FFFFFFF  }
0xc3: {  	(tm) =	ssettm $0x7FFFFFFF  }
tec
execute0_lowered:
.L_overlay_start_1:
0x0: {  	(tag) =	ssettag $0x1  }
0x1: {  	s1 =	srdreg.scid;
	s11 =	stileid.u32  }
0x2: {  	s1 =	sand.u32 $0x1, s1;
	s6 =	smul.u32 $0x186A0, s11  }
0x3: {  	s0 =	rddreg [dreg:$0x0];
	s7 =	smul.u32 $0x186A00, s1  }
0x4: {  	s2 =	rddreg [dreg:$0x1];
	s8 =	smul.u32 $0x61A80, s11  }
0x5: {  	s3 =	rddreg [dreg:$0x2];
	s7 =	sadd.s32 s6, s7  }
0x6: {  	s4 =	simm.s32 $0x0;
	s8 =	sshrl.u32 s8, $0x2;
	s7 =	sshrl.u32 s7, $0x3  }
0x7: {  	s5 =	sadd.s32 $0x2000, s0;
	s7 =	sadd.s32 s7, s0;
	s0 =	sadd.s32 s8, s3  }
0x8: {  	[smem:$0x7FF] =	sst s4;
	s19 =	ssub.s32 $0x4F1, s11;
	s8 =	sadd.s32 $0xFA0, s0  }
0x9: {  	_ =	strace $0x80000047;
	s23 =	sadd.s32 $0x1F40, s0;
	[dreg:$0x4] =	wrdreg s8  }
0xa: {  	s9 =	ssub.s32 $0x2, s1;
	s24 =	sadd.s32 $0x2EE0, s0;
	[dreg:$0x5] =	wrdreg s23  }
0xb: {  	s1 =	smul.u32 $0x27100, s1;
	s25 =	sadd.s32 $0x3E80, s0;
	[dreg:$0x6] =	wrdreg s24  }
0xc: {  	s10 =	sshrl.u32 s9, $0x1;
	s26 =	sadd.s32 $0x4E20, s0;
	[dreg:$0x7] =	wrdreg s25  }
0xd: {  	s9 =	ssub.s32 s9, s10;
	s10 =	sadd.s32 $0x5DC0, s0;
	[dreg:$0x8] =	wrdreg s26  }
0xe: {  	s6 =	sadd.s32 s6, s3;
	s12 =	sadd.s32 $0x6D60, s0;
	[dreg:$0x9] =	wrdreg s10  }
0xf: {  	s13 =	sadd.s32 $0x7D00, s0;
	s14 =	sadd.s32 $0x8CA0, s0;
	[dreg:$0xa] =	wrdreg s12  }
0x10: {  	s15 =	sadd.s32 $0x9C40, s0;
	s16 =	sadd.s32 $0xABE0, s0;
	[dreg:$0xb] =	wrdreg s13  }
0x11: {  	s17 =	sadd.s32 $0xBB80, s0;
	s18 =	sadd.s32 $0xCB20, s0;
	[dreg:$0xc] =	wrdreg s14  }
0x12: {  	s20 =	sadd.s32 $0xDAC0, s0;
	s21 =	sadd.s32 $0xEA60, s0;
	[dreg:$0xd] =	wrdreg s15  }
0x13: {  	s22 =	sadd.s32 $0xFA00, s0;
	s28 =	sadd.s32 $0x14820, s0;
	[dreg:$0xe] =	wrdreg s16  }
0x14: {  	s29 =	sadd.s32 $0x157C0, s0;
	s30 =	sadd.s32 $0x16760, s0;
	[dreg:$0xf] =	wrdreg s17  }
0x15: {  	s31 =	sadd.s32 $0x17700, s0;
	s7 =	sadd.s32 $0x13A800, s7;
	[dreg:$0x10] =	wrdreg s18  }
0x16: {  	s23 =	sadd.s32 $0x109A0, s0;
	s24 =	sadd.s32 $0x11940, s0;
	s25 =	sadd.s32 $0x128E0, s0  }
0x17: {  	s26 =	sadd.s32 $0x13880, s0;
	s0 =	sshrl.u32 s19, $0x4;
	s8 =	smax.u32 s9, $0x1  }
0x18: {  	s9 =	sshll.u32 s11, $0x7;
	s10 =	simm.s32 $0x6080;
	s11 =	simm.s32 $0x1  }
0x19: {  	v0 =	vimm.f32 $0.0e+00;
	s12 =	simm.s32 $0x80;
	s13 =	simm.s32 $0x1080;
	s14 =	simm.s32 $0x0  }
.LBB2_1:
0x1a: {  	s15 =	simm.s32 $0x0;
	s16 =	simm.s32 $0x280  }
.LBB2_2:
0x1b: {  	p0 =	sne.s32 s16, $0x3C00;
	[tilespmem:s15+$0x6110] =	vst v0  }
0x1c: {  	[tilespmem:s15+$0x6080] =	vst v0  }
0x1d: {  	[tilespmem:s15+$0x6090] =	vst v0  }
0x1e: {  	[tilespmem:s15+$0x60A0] =	vst v0  }
0x1f: {  	[tilespmem:s15+$0x60B0] =	vst v0  }
.Ltmp0:
0x20: {  	[tilespmem:s15+$0x60C0] =	vst v0;
	(pc) =	sbr.rel @p0 .LBB2_2-.Ltmp0, $4  }
0x21: {  	[tilespmem:s15+$0x60D0] =	vst v0  }
0x22: {  	[tilespmem:s15+$0x60E0] =	vst v0  }
0x23: {  	[tilespmem:s15+$0x60F0] =	vst v0  }
0x24: {  	[tilespmem:s15+$0x6100] =	vst v0;
	s15 =	sshra.s32 s16, $0x2;
	s16 =	sadd.s32 $0x280, s16  }
0x25: {  	[tilespmem:s15+$0x6110] =	vst v0  }
0x26: {  	[tilespmem:s15+$0x6080] =	vst v0  }
0x27: {  	[tilespmem:s15+$0x6090] =	vst v0  }
0x28: {  	[tilespmem:s15+$0x60A0] =	vst v0  }
0x29: {  	[tilespmem:s15+$0x60B0] =	vst v0  }
0x2a: {  	[tilespmem:s15+$0x60C0] =	vst v0  }
0x2b: {  	[tilespmem:s15+$0x60D0] =	vst v0  }
0x2c: {  	[tilespmem:s15+$0x60E0] =	vst v0  }
0x2d: {  	[tilespmem:s15+$0x60F0] =	vst v0  }
0x2e: {  	[tilespmem:s15+$0x6100] =	vst v0  }
0x2f: {  	[spmem:s6] =	stream.linear.scatter [tilespmem:s10], [sflag:$0x1], $0xFA0, $0x38;
	[tilespmem:$0x1F6C0] =	vst v63  }
0x30: {  	_ =	swait.ge [sflag:s11], $0xFA0  }
0x31: {  	[sflag:s11] =	ssyncset.done $0x0  }
0x32: {  	s19 =	rddreg [dreg:$0x4];
	[sflag:s11] =	ssyncadd.s32 $0xFFFFF060  }
0x33: {  	[spmem:s19] =	stream.linear.scatter [tilespmem:s10], [sflag:$0x1], $0xFA0, $0x38;
	[tilespmem:$0x1F6C0] =	vst v63  }
0x34: {  	_ =	swait.ge [sflag:s11], $0xFA0  }
0x35: {  	[sflag:s11] =	ssyncset.done $0x0  }
0x36: {  	s16 =	rddreg [dreg:$0x5];
	[sflag:s11] =	ssyncadd.s32 $0xFFFFF060  }
0x37: {  	[spmem:s16] =	stream.linear.scatter [tilespmem:s10], [sflag:$0x1], $0xFA0, $0x38;
	[tilespmem:$0x1F6C0] =	vst v63  }
0x38: {  	_ =	swait.ge [sflag:s11], $0xFA0  }
0x39: {  	[sflag:s11] =	ssyncset.done $0x0  }
0x3a: {  	s17 =	rddreg [dreg:$0x6];
	[sflag:s11] =	ssyncadd.s32 $0xFFFFF060  }
0x3b: {  	[spmem:s17] =	stream.linear.scatter [tilespmem:s10], [sflag:$0x1], $0xFA0, $0x38;
	[tilespmem:$0x1F6C0] =	vst v63  }
0x3c: {  	_ =	swait.ge [sflag:s11], $0xFA0  }
0x3d: {  	[sflag:s11] =	ssyncset.done $0x0  }
0x3e: {  	s18 =	rddreg [dreg:$0x7];
	[sflag:s11] =	ssyncadd.s32 $0xFFFFF060  }
0x3f: {  	[spmem:s18] =	stream.linear.scatter [tilespmem:s10], [sflag:$0x1], $0xFA0, $0x38;
	[tilespmem:$0x1F6C0] =	vst v63  }
0x40: {  	_ =	swait.ge [sflag:s11], $0xFA0  }
0x41: {  	[sflag:s11] =	ssyncset.done $0x0  }
0x42: {  	s19 =	rddreg [dreg:$0x8];
	[sflag:s11] =	ssyncadd.s32 $0xFFFFF060  }
0x43: {  	[spmem:s19] =	stream.linear.scatter [tilespmem:s10], [sflag:$0x1], $0xFA0, $0x38;
	[tilespmem:$0x1F6C0] =	vst v63  }
0x44: {  	_ =	swait.ge [sflag:s11], $0xFA0  }
0x45: {  	[sflag:s11] =	ssyncset.done $0x0  }
0x46: {  	s16 =	rddreg [dreg:$0x9];
	[sflag:s11] =	ssyncadd.s32 $0xFFFFF060  }
0x47: {  	[spmem:s16] =	stream.linear.scatter [tilespmem:s10], [sflag:$0x1], $0xFA0, $0x38;
	[tilespmem:$0x1F6C0] =	vst v63  }
0x48: {  	_ =	swait.ge [sflag:s11], $0xFA0  }
0x49: {  	[sflag:s11] =	ssyncset.done $0x0  }
0x4a: {  	s17 =	rddreg [dreg:$0xa];
	[sflag:s11] =	ssyncadd.s32 $0xFFFFF060  }
0x4b: {  	[spmem:s17] =	stream.linear.scatter [tilespmem:s10], [sflag:$0x1], $0xFA0, $0x38;
	[tilespmem:$0x1F6C0] =	vst v63  }
0x4c: {  	_ =	swait.ge [sflag:s11], $0xFA0  }
0x4d: {  	[sflag:s11] =	ssyncset.done $0x0  }
0x4e: {  	s18 =	rddreg [dreg:$0xb];
	[sflag:s11] =	ssyncadd.s32 $0xFFFFF060  }
0x4f: {  	[spmem:s18] =	stream.linear.scatter [tilespmem:s10], [sflag:$0x1], $0xFA0, $0x38;
	[tilespmem:$0x1F6C0] =	vst v63  }
0x50: {  	_ =	swait.ge [sflag:s11], $0xFA0  }
0x51: {  	[sflag:s11] =	ssyncset.done $0x0  }
0x52: {  	s19 =	rddreg [dreg:$0xc];
	[sflag:s11] =	ssyncadd.s32 $0xFFFFF060  }
0x53: {  	[spmem:s19] =	stream.linear.scatter [tilespmem:s10], [sflag:$0x1], $0xFA0, $0x38;
	[tilespmem:$0x1F6C0] =	vst v63  }
0x54: {  	_ =	swait.ge [sflag:s11], $0xFA0  }
0x55: {  	[sflag:s11] =	ssyncset.done $0x0  }
0x56: {  	s16 =	rddreg [dreg:$0xd];
	[sflag:s11] =	ssyncadd.s32 $0xFFFFF060  }
0x57: {  	[spmem:s16] =	stream.linear.scatter [tilespmem:s10], [sflag:$0x1], $0xFA0, $0x38;
	[tilespmem:$0x1F6C0] =	vst v63  }
0x58: {  	_ =	swait.ge [sflag:s11], $0xFA0  }
0x59: {  	[sflag:s11] =	ssyncset.done $0x0  }
0x5a: {  	s17 =	rddreg [dreg:$0xe];
	[sflag:s11] =	ssyncadd.s32 $0xFFFFF060  }
0x5b: {  	[spmem:s17] =	stream.linear.scatter [tilespmem:s10], [sflag:$0x1], $0xFA0, $0x38;
	[tilespmem:$0x1F6C0] =	vst v63  }
0x5c: {  	_ =	swait.ge [sflag:s11], $0xFA0  }
0x5d: {  	[sflag:s11] =	ssyncset.done $0x0  }
0x5e: {  	s18 =	rddreg [dreg:$0xf];
	[sflag:s11] =	ssyncadd.s32 $0xFFFFF060  }
0x5f: {  	[spmem:s18] =	stream.linear.scatter [tilespmem:s10], [sflag:$0x1], $0xFA0, $0x38;
	[tilespmem:$0x1F6C0] =	vst v63  }
0x60: {  	_ =	swait.ge [sflag:s11], $0xFA0  }
0x61: {  	[sflag:s11] =	ssyncset.done $0x0  }
0x62: {  	s19 =	rddreg [dreg:$0x10];
	[sflag:s11] =	ssyncadd.s32 $0xFFFFF060  }
0x63: {  	[spmem:s19] =	stream.linear.scatter [tilespmem:s10], [sflag:$0x1], $0xFA0, $0x38;
	[tilespmem:$0x1F6C0] =	vst v63  }
0x64: {  	_ =	swait.ge [sflag:s11], $0xFA0  }
0x65: {  	[sflag:s11] =	ssyncset.done $0x0  }
0x66: {  	[sflag:s11] =	ssyncadd.s32 $0xFFFFF060  }
0x67: {  	[spmem:s20] =	stream.linear.scatter [tilespmem:s10], [sflag:$0x1], $0xFA0, $0x38;
	[tilespmem:$0x1F6C0] =	vst v63  }
0x68: {  	_ =	swait.ge [sflag:s11], $0xFA0  }
0x69: {  	[sflag:s11] =	ssyncset.done $0x0  }
0x6a: {  	[sflag:s11] =	ssyncadd.s32 $0xFFFFF060  }
0x6b: {  	[spmem:s21] =	stream.linear.scatter [tilespmem:s10], [sflag:$0x1], $0xFA0, $0x38;
	[tilespmem:$0x1F6C0] =	vst v63  }
0x6c: {  	_ =	swait.ge [sflag:s11], $0xFA0  }
0x6d: {  	[sflag:s11] =	ssyncset.done $0x0  }
0x6e: {  	[sflag:s11] =	ssyncadd.s32 $0xFFFFF060  }
0x6f: {  	[spmem:s22] =	stream.linear.scatter [tilespmem:s10], [sflag:$0x1], $0xFA0, $0x38;
	[tilespmem:$0x1F6C0] =	vst v63  }
0x70: {  	_ =	swait.ge [sflag:s11], $0xFA0  }
0x71: {  	[sflag:s11] =	ssyncset.done $0x0  }
0x72: {  	[sflag:s11] =	ssyncadd.s32 $0xFFFFF060  }
0x73: {  	[spmem:s23] =	stream.linear.scatter [tilespmem:s10], [sflag:$0x1], $0xFA0, $0x38;
	[tilespmem:$0x1F6C0] =	vst v63  }
0x74: {  	_ =	swait.ge [sflag:s11], $0xFA0  }
0x75: {  	[sflag:s11] =	ssyncset.done $0x0  }
0x76: {  	[sflag:s11] =	ssyncadd.s32 $0xFFFFF060  }
0x77: {  	[spmem:s24] =	stream.linear.scatter [tilespmem:s10], [sflag:$0x1], $0xFA0, $0x38;
	[tilespmem:$0x1F6C0] =	vst v63  }
0x78: {  	_ =	swait.ge [sflag:s11], $0xFA0  }
0x79: {  	[sflag:s11] =	ssyncset.done $0x0  }
0x7a: {  	[sflag:s11] =	ssyncadd.s32 $0xFFFFF060  }
0x7b: {  	[spmem:s25] =	stream.linear.scatter [tilespmem:s10], [sflag:$0x1], $0xFA0, $0x38;
	[tilespmem:$0x1F6C0] =	vst v63  }
0x7c: {  	_ =	swait.ge [sflag:s11], $0xFA0  }
0x7d: {  	[sflag:s11] =	ssyncset.done $0x0  }
0x7e: {  	[sflag:s11] =	ssyncadd.s32 $0xFFFFF060  }
0x7f: {  	[spmem:s26] =	stream.linear.scatter [tilespmem:s10], [sflag:$0x1], $0xFA0, $0x38;
	[tilespmem:$0x1F6C0] =	vst v63  }
0x80: {  	_ =	swait.ge [sflag:s11], $0xFA0  }
0x81: {  	[sflag:s11] =	ssyncset.done $0x0  }
0x82: {  	[sflag:s11] =	ssyncadd.s32 $0xFFFFF060  }
0x83: {  	[spmem:s28] =	stream.linear.scatter [tilespmem:s10], [sflag:$0x1], $0xFA0, $0x38;
	[tilespmem:$0x1F6C0] =	vst v63  }
0x84: {  	_ =	swait.ge [sflag:s11], $0xFA0  }
0x85: {  	[sflag:s11] =	ssyncset.done $0x0  }
0x86: {  	[sflag:s11] =	ssyncadd.s32 $0xFFFFF060  }
0x87: {  	[spmem:s29] =	stream.linear.scatter [tilespmem:s10], [sflag:$0x1], $0xFA0, $0x38;
	[tilespmem:$0x1F6C0] =	vst v63  }
0x88: {  	_ =	swait.ge [sflag:s11], $0xFA0  }
0x89: {  	[sflag:s11] =	ssyncset.done $0x0  }
0x8a: {  	[sflag:s11] =	ssyncadd.s32 $0xFFFFF060  }
0x8b: {  	[spmem:s30] =	stream.linear.scatter [tilespmem:s10], [sflag:$0x1], $0xFA0, $0x38;
	[tilespmem:$0x1F6C0] =	vst v63  }
0x8c: {  	_ =	swait.ge [sflag:s11], $0xFA0  }
0x8d: {  	[sflag:s11] =	ssyncset.done $0x0  }
0x8e: {  	[sflag:s11] =	ssyncadd.s32 $0xFFFFF060  }
0x8f: {  	[spmem:s31] =	stream.linear.scatter [tilespmem:s10], [sflag:$0x1], $0xFA0, $0x38;
	[tilespmem:$0x1F6C0] =	vst v63  }
0x90: {  	_ =	swait.ge [sflag:s11], $0xFA0  }
0x91: {  	[sflag:s11] =	ssyncset.done $0x0  }
0x92: {  	[sflag:s11] =	ssyncadd.s32 $0xFFFFF060  }
0x93: {  	s15 =	simm.s32 $0x0;
	s16 =	simm.s32 $0x0;
	[bflag:$0x0] =	sbarrier.arrive $0xFFFF  }
.LBB2_4:
0x94: {  	s17 =	sshll.u32 s16, $0xB  }
0x95: {  	s17 =	sor.u32 s9, s17  }
0x96: {  	s18 =	sadd.s32 s1, s17  }
0x97: {  	s18 =	sshll.u32 s18, $0x2  }
0x98: {  	s18 =	sadd.s32 s5, s18  }
0x99: {  	[tilespmem:s12], [sflag:$0x1] =	stream.linear.gather [hbm4b:s18+s15], $0x1000, $0x38;
	[tilespmem:$0x1F6C0] =	vst v63  }
0x9a: {  	_ =	swait.ge [sflag:s11], $0x1000  }
0x9b: {  	s17 =	sshrl.u32 s17, $0x3;
	[sflag:s11] =	ssyncset.done $0x0  }
0x9c: {  	s17 =	sadd.s32 s2, s17;
	[sflag:s11] =	ssyncadd.s32 $0xFFFFF000  }
0x9d: {  	[tilespmem:s15], [sflag:$0x1] =	stream.linear.gather [hbm4b:s17+s15], $0x80, $0x38;
	[tilespmem:$0x1F6C0] =	vst v63  }
0x9e: {  	_ =	swait.ge [sflag:s11], $0x80  }
0x9f: {  	[sflag:s11] =	ssyncset.done $0x0  }
0xa0: {  	s19 =	simm.s32 $0x0;
	[sflag:s11] =	ssyncadd.s32 $0xFFFFFF80  }
0xa1: {  	v1 =	vld [tilespmem:s19+$0x90];
	_ =	sdelay $0x1  }
0xa2: {  	v2 =	vld [tilespmem:s19+$0x80];
	_ =	sdelay $0x2  }
0xa3: {  	v3 =	vbroadcast v1, $0x1  }
0xa4: {  	v4 =	vbroadcast v1, $0x0  }
0xa5: {  	v5 =	vbroadcast v1, $0x2;
	v3 =	vmul.f32 v3, v2  }
0xa6: {  	s17 =	simm.s32 $0x10D0;
	v6 =	vbroadcast v1, $0x3;
	v4 =	vmul.f32 v4, v2  }
0xa7: {  	v5 =	vmul.f32 v5, v2;
	[tilespmem:s17+$0xFFFFFFC0] =	vst v3;
	v3 =	vbroadcast v1, $0x4  }
0xa8: {  	v7 =	vbroadcast v1, $0x5;
	v6 =	vmul.f32 v6, v2;
	[tilespmem:s17+$0xFFFFFFB0] =	vst v4  }
0xa9: {  	v62 =	vbroadcast v1, $0x6;
	[tilespmem:s17+$0xFFFFFFD0] =	vst v5;
	v3 =	vmul.f32 v3, v2  }
0xaa: {  	v63 =	vbroadcast v1, $0x7;
	v7 =	vmul.f32 v7, v2;
	[tilespmem:s17+$0xFFFFFFE0] =	vst v6  }
0xab: {  	v4 =	vmul.f32 v62, v2;
	[tilespmem:s17+$0xFFFFFFF0] =	vst v3;
	v3 =	vbroadcast v1, $0x8  }
0xac: {  	v5 =	vmul.f32 v63, v2;
	[tilespmem:s17+$0x0] =	vst v7;
	v1 =	vbroadcast v1, $0x9  }
0xad: {  	[tilespmem:s17+$0x10] =	vst v4;
	v3 =	vmul.f32 v3, v2  }
0xae: {  	[tilespmem:s17+$0x20] =	vst v5;
	v1 =	vmul.f32 v1, v2  }
0xaf: {  	[tilespmem:s17+$0x30] =	vst v3  }
0xb0: {  	s18 =	simm.s32 $0x100;
	s19 =	simm.s32 $0x20;
	[tilespmem:s17+$0x40] =	vst v1  }
.LBB2_5:
0xb1: {  	p0 =	sne.s32 s18, $0x3F80;
	v1 =	vld [tilespmem:s19+$0x90];
	_ =	sdelay $0x1  }
0xb2: {  	v2 =	vld [tilespmem:s19+$0x80];
	_ =	sdelay $0x2  }
0xb3: {  	v3 =	vbroadcast v1, $0x0;
	v4 =	vbroadcast v1, $0x1  }
0xb4: {  	v5 =	vbroadcast v1, $0x2;
	v6 =	vbroadcast v1, $0x3  }
0xb5: {  	v3 =	vmul.f32 v3, v2;
	v4 =	vmul.f32 v4, v2  }
0xb6: {  	s17 =	sadd.s32 $0xA0, s17;
	v5 =	vmul.f32 v5, v2;
	v6 =	vmul.f32 v6, v2  }
0xb7: {  	v7 =	vbroadcast v1, $0x5;
	[tilespmem:s17+$0xFFFFFFC0] =	vst v4;
	v4 =	vbroadcast v1, $0x4  }
0xb8: {  	v8 =	vbroadcast v1, $0x7;
	[tilespmem:s17+$0xFFFFFFB0] =	vst v3;
	v3 =	vbroadcast v1, $0x6  }
0xb9: {  	[tilespmem:s17+$0xFFFFFFD0] =	vst v5;
	v4 =	vmul.f32 v4, v2;
	v5 =	vmul.f32 v7, v2  }
0xba: {  	[tilespmem:s17+$0xFFFFFFE0] =	vst v6;
	v3 =	vmul.f32 v3, v2;
	v6 =	vmul.f32 v8, v2  }
0xbb: {  	[tilespmem:s17+$0xFFFFFFF0] =	vst v4;
	v4 =	vbroadcast v1, $0x8;
	v1 =	vbroadcast v1, $0x9  }
.Ltmp1:
0xbc: {  	[tilespmem:s17+$0x0] =	vst v5;
	(pc) =	sbr.rel @p0 .LBB2_5-.Ltmp1, $4  }
0xbd: {  	[tilespmem:s17+$0x10] =	vst v3;
	v3 =	vmul.f32 v4, v2;
	v1 =	vmul.f32 v1, v2  }
0xbe: {  	[tilespmem:s17+$0x20] =	vst v6  }
0xbf: {  	[tilespmem:s17+$0x30] =	vst v3  }
0xc0: {  	s19 =	sshra.s32 s18, $0x2;
	s18 =	sadd.s32 $0x80, s18;
	[tilespmem:s17+$0x40] =	vst v1  }
0xc1: {  	v1 =	vld [tilespmem:s19+$0x90];
	_ =	sdelay $0x1  }
0xc2: {  	v2 =	vld [tilespmem:s19+$0x80];
	_ =	sdelay $0x2  }
0xc3: {  	v3 =	vbroadcast v1, $0x1  }
0xc4: {  	v4 =	vbroadcast v1, $0x0  }
0xc5: {  	v5 =	vbroadcast v1, $0x2;
	v3 =	vmul.f32 v3, v2  }
0xc6: {  	s17 =	sadd.s32 $0xA0, s17;
	v6 =	vbroadcast v1, $0x3;
	v4 =	vmul.f32 v4, v2  }
0xc7: {  	v5 =	vmul.f32 v5, v2;
	[tilespmem:s17+$0xFFFFFFC0] =	vst v3;
	v3 =	vbroadcast v1, $0x4  }
0xc8: {  	v7 =	vbroadcast v1, $0x5;
	v6 =	vmul.f32 v6, v2;
	[tilespmem:s17+$0xFFFFFFB0] =	vst v4  }
0xc9: {  	v62 =	vbroadcast v1, $0x6;
	[tilespmem:s17+$0xFFFFFFD0] =	vst v5;
	v3 =	vmul.f32 v3, v2  }
0xca: {  	v63 =	vbroadcast v1, $0x7;
	v7 =	vmul.f32 v7, v2;
	[tilespmem:s17+$0xFFFFFFE0] =	vst v6  }
0xcb: {  	v4 =	vmul.f32 v62, v2;
	[tilespmem:s17+$0xFFFFFFF0] =	vst v3;
	v3 =	vbroadcast v1, $0x8  }
0xcc: {  	v5 =	vmul.f32 v63, v2;
	[tilespmem:s17+$0x0] =	vst v7;
	v1 =	vbroadcast v1, $0x9  }
0xcd: {  	[tilespmem:s17+$0x10] =	vst v4;
	v3 =	vmul.f32 v3, v2  }
0xce: {  	s16 =	sadd.s32 $0x1, s16;
	[tilespmem:s17+$0x20] =	vst v5;
	v1 =	vmul.f32 v1, v2  }
0xcf: {  	p0 =	sne.s32 s16, s0;
	[tilespmem:s17+$0x30] =	vst v3  }
.Ltmp2:
0xd0: {  	[tilespmem:s17+$0x40] =	vst v1;
	(pc) =	sbr.rel @p0 .LBB2_4-.Ltmp2, $4  }
0xd1: {  	[spmem:s3] =	stream.indirect.scatter.add.f32 [tilespmem:s13], [sflag:$0x1], $0xA0, s4, s12, $0xb8;
	[tilespmem:$0x1F6C0] =	vst v63  }
0xd2: {  	_ =	swait.ge [sflag:s11], $0x5000  }
0xd3: {  	[sflag:s11] =	ssyncset.done $0x0  }
0xd4: {  	[sflag:s11] =	ssyncadd.s32 $0xFFFFB000  }
0xd5: {  	s15 =	stileid.u32;
	s14 =	sadd.s32 $0x1, s14  }
0xd6: {  	[bflag:$0x0] =	sbarrier.arrive $0xFFFF;
	s15 =	sshll.u32 s15, $0x6;
	p0 =	sne.s32 s14, s8  }
.Ltmp3:
0xd7: {  	s16 =	sshrl.u32 s6, $0x3;
	s15 =	sor.u32 $0x1C01, s15;
	(pc) =	sbr.rel @p0 .LBB2_1-.Ltmp3, $4  }
0xd8: {  	[hbm:s7], [sflag:s15] =	dma.local [spmem:s16], $0x30D4  }
0xd9: {  	_ =	swait.ge [sflag:s11], $0x30D4  }
0xda: {  	[sflag:s11] =	ssyncset.done $0x0  }
0xdb: {  	[sflag:s11] =	ssyncadd.s32 $0xFFFFCF2C  }
0xdc: {  	_ =	sfence.sel $0x180000  }
0xdd: {  	[bflag:$0x0] =	sbarrier.arrive $0xFFFF  }
0xde: {  	_ =	strace $0x90000047  }
0xdf: {  	s0 =	stileid.u32;
	[bflag:$0x2] =	sbarrier.arrive $0xFFFF  }
0xe0: {  	p0 =	sne.s32 s0, $0x0;
	s0 =	rddreg [dreg:$0x3]  }
0xe1: {  	s0 =	sadd.s32 @!p0 $0x100000, s0  }
0xe2: {  	[sflag:s0] =	ssyncadd.tile.s32 @!p0 $0x1;
	_ =	shalt  }
.Lfunc_end2:
_tile_overlayer_lowered:
.L_overlay_start_2:
0xe3: {  	(tag) =	ssettag $0x2  }
0xe4: {  	s0 =	rddreg [dreg:$0x0];
	s2 =	stileid.u32  }
0xe5: {  	s1 =	rddreg [dreg:$0x1];
	p0 =	sne.s32 s2, $0x0  }
0xe6: {  	s3 =	rddreg [dreg:$0x2];
	[bflag:$0x3] =	sbarrier.arrive $0xFFFF;
	s2 =	simm.s32 @!p0 $0x1C01  }
0xe7: {  	[timem:s3], [sflag:s2] =	dma.local @!p0 [hbm:s0], s1  }
0xe8: {  	s0 =	simm.s32 @!p0 $0x1  }
0xe9: {  	_ =	swait.ge @!p0 [sflag:s0], s1  }
0xea: {  	s1 =	ssub.s32 @!p0 $0x0, s1;
	[sflag:s0] =	ssyncset.done @!p0 $0x0  }
0xeb: {  	[sflag:s0] =	ssyncadd.s32 @!p0 s1  }
0xec: {  	[bflag:$0x3] =	sbarrier.arrive $0xFFFF  }
0xed: {  	_ =	shalt  }

</sc_bundles>
